<compile_context>
chip_gen: v7x
topology: tpu7x:2x2x1
jax: 0.10.2.dev20260603
libtpu: 0.0.44.dev20260713+nightly
codegen_flags: <defaults>
</compile_context>

<pallas_src>
import functools

import jax
import jax.numpy as jnp
from jax import lax
from jax.experimental import pallas as pl
from jax.experimental.pallas import tpu as pltpu
from jax.experimental.pallas import tpu_sc as plsc

N = 10000
D = 128
E = 320000
EPS = 1e-5

NC = 2
NS = 16
NW = NC * NS
CH = 128
K_AGG = 80
K_DEG = 160
E_PAD = NW * K_AGG * CH
ROWS_SH = 10112
RPT = ROWS_SH // NS
DEG_W = 16


def _sc_degrees(deg_idx, ones_hbm, zeros_hbm):
  mesh = plsc.VectorSubcoreMesh(core_axis_name="c", subcore_axis_name="s")

  @functools.partial(
      pl.kernel,
      out_type=jax.ShapeDtypeStruct((NC, ROWS_SH, DEG_W), jnp.float32),
      mesh=mesh,
      compiler_params=pltpu.CompilerParams(use_tc_tiling_on_sc=False),
      scratch_types=[
          pltpu.VMEM((K_DEG, CH), jnp.int32),
          pltpu.VMEM((CH, DEG_W), jnp.float32),
          pltpu.VMEM_SHARED((ROWS_SH, DEG_W), jnp.float32),
          pltpu.SemaphoreType.DMA,
      ],
  )
  def k(idx_hbm, ones_h, zeros_h, out_hbm, idx_v, ones_v, deg_sh, sem):
    c = lax.axis_index("c")
    s = lax.axis_index("s")
    pltpu.sync_copy(idx_hbm.at[c, s], idx_v)
    pltpu.sync_copy(ones_h, ones_v)
    pltpu.sync_copy(zeros_h, deg_sh.at[pl.ds(s * RPT, RPT)])
    plsc.subcore_barrier()

    WIN = 4
    for w in range(WIN):
      pltpu.async_copy(ones_v, deg_sh.at[idx_v.at[w]], sem, add=True)

    @pl.loop(WIN, K_DEG)
    def _(j):
      pltpu.make_async_copy(ones_v, deg_sh.at[idx_v.at[0]], sem).wait()
      pltpu.async_copy(ones_v, deg_sh.at[idx_v.at[j]], sem, add=True)

    for w in range(WIN):
      pltpu.make_async_copy(ones_v, deg_sh.at[idx_v.at[0]], sem).wait()

    plsc.subcore_barrier()
    pltpu.sync_copy(deg_sh.at[pl.ds(s * RPT, RPT)],
                    out_hbm.at[c, pl.ds(s * RPT, RPT)])

  return k(deg_idx, ones_hbm, zeros_hbm)


def _sc_aggregate(h_pad, src_t, dst_t, zeros_hbm):
  mesh = plsc.VectorSubcoreMesh(core_axis_name="c", subcore_axis_name="s")

  @functools.partial(
      pl.kernel,
      out_type=jax.ShapeDtypeStruct((NC, ROWS_SH, D), jnp.float32),
      mesh=mesh,
      scratch_types=[
          pltpu.VMEM((K_AGG // 2, CH), jnp.int32),
          pltpu.VMEM((K_AGG // 2, CH), jnp.int32),
          pltpu.VMEM((CH, D), jnp.float32),
          pltpu.VMEM((CH, D), jnp.float32),
          pltpu.VMEM_SHARED((ROWS_SH, D), jnp.float32),
          pltpu.SemaphoreType.DMA,
          pltpu.SemaphoreType.DMA,
      ],
  )
  def k(h_hbm, src_h, dst_h, z_h, out_hbm, sidx_v, didx_v, rows0, rows1,
        agg_sh, g0, g1):
    c = lax.axis_index("c")
    s = lax.axis_index("s")
    wid = c * NS + s
    half = K_AGG // 2
    pltpu.sync_copy(z_h, agg_sh.at[pl.ds(s * RPT, RPT)])
    plsc.subcore_barrier()

    def wait_gather(buf, sem):
      pltpu.make_async_copy(h_hbm.at[sidx_v.at[0]], buf, sem).wait()

    for hf in range(2):
      pltpu.sync_copy(src_h.at[wid, pl.ds(hf * half, half)], sidx_v)
      pltpu.sync_copy(dst_h.at[wid, pl.ds(hf * half, half)], didx_v)
      pltpu.async_copy(h_hbm.at[sidx_v.at[0]], rows0, g0)

      @pl.loop(0, half - 2, step=2)
      def _(j):
        wait_gather(rows0, g0)
        pltpu.async_copy(h_hbm.at[sidx_v.at[j + 1]], rows1, g1)
        pltpu.sync_copy(rows0, agg_sh.at[didx_v.at[j]], add=True)
        wait_gather(rows1, g1)
        pltpu.async_copy(h_hbm.at[sidx_v.at[j + 2]], rows0, g0)
        pltpu.sync_copy(rows1, agg_sh.at[didx_v.at[j + 1]], add=True)

      wait_gather(rows0, g0)
      pltpu.async_copy(h_hbm.at[sidx_v.at[half - 1]], rows1, g1)
      pltpu.sync_copy(rows0, agg_sh.at[didx_v.at[half - 2]], add=True)
      wait_gather(rows1, g1)
      pltpu.sync_copy(rows1, agg_sh.at[didx_v.at[half - 1]], add=True)

    plsc.subcore_barrier()
    pltpu.sync_copy(agg_sh.at[pl.ds(s * RPT, RPT)],
                    out_hbm.at[c, pl.ds(s * RPT, RPT)])

  return k(h_pad, src_t, dst_t, zeros_hbm)


def _tc_pre(x_pad, w1, deg):

  def body(x_ref, w_ref, d_ref, h_ref, s_ref):
    u = jnp.dot(x_ref[...], w_ref[...], preferred_element_type=jnp.float32)
    out_s = lax.rsqrt(jnp.maximum(d_ref[0, :, 0:1], 1.0))
    in_s = lax.rsqrt(jnp.maximum(d_ref[1, :, 0:1], 1.0))
    h_ref[...] = u * out_s
    s_ref[...] = jnp.concatenate(
        [jnp.broadcast_to(out_s, (ROWS_SH, 8)),
         jnp.broadcast_to(in_s, (ROWS_SH, 8))], axis=1)

  return pl.pallas_call(
      body,
      out_shape=(jax.ShapeDtypeStruct((ROWS_SH, D), jnp.float32),
                 jax.ShapeDtypeStruct((ROWS_SH, 16), jnp.float32)),
  )(x_pad, w1, deg)


def _tc_mid(p, scales, b1, g1, be1, w2):

  def body(p_ref, s_ref, b_ref, g_ref, be_ref, w_ref, o_ref):
    agg = p_ref[0, :N, :] + p_ref[1, :N, :]
    agg = agg * s_ref[0:N, 8:9] + b_ref[...]
    a = jnp.where(agg > 0, agg, jnp.exp(agg) - 1.0)
    mean = jnp.mean(a, axis=0, keepdims=True)
    var = jnp.mean((a - mean) ** 2, axis=0, keepdims=True)
    h1 = (a - mean) * lax.rsqrt(var + EPS) * g_ref[...] + be_ref[...]
    h2 = jnp.dot(h1, w_ref[...], preferred_element_type=jnp.float32)
    o_ref[0:N, :] = h2 * s_ref[0:N, 0:1]
    o_ref[N:ROWS_SH, :] = jnp.zeros((ROWS_SH - N, D), jnp.float32)

  return pl.pallas_call(
      body,
      out_shape=jax.ShapeDtypeStruct((ROWS_SH, D), jnp.float32),
  )(p, scales, b1, g1, be1, w2)


def _tc_post(p, scales, b2, g2, be2):

  def body(p_ref, s_ref, b_ref, g_ref, be_ref, o_ref):
    agg = p_ref[0, :N, :] + p_ref[1, :N, :]
    agg = agg * s_ref[0:N, 8:9] + b_ref[...]
    a = jnp.where(agg > 0, agg, jnp.exp(agg) - 1.0)
    mean = jnp.mean(a, axis=0, keepdims=True)
    var = jnp.mean((a - mean) ** 2, axis=0, keepdims=True)
    o_ref[...] = (a - mean) * lax.rsqrt(var + EPS) * g_ref[...] + be_ref[...]

  return pl.pallas_call(
      body,
      out_shape=jax.ShapeDtypeStruct((N, D), jnp.float32),
  )(p, scales, b2, g2, be2)


@jax.jit
def kernel(features, edge_index, W1, b1, gamma1, beta1, W2, b2, gamma2,
           beta2):
  src = edge_index[0].astype(jnp.int32)
  dst = edge_index[1].astype(jnp.int32)
  pad = N + (jnp.arange(E_PAD - E, dtype=jnp.int32) % (ROWS_SH - N))
  src_p = jnp.concatenate([src, pad])
  dst_p = jnp.concatenate([dst, pad])
  src_t = src_p.reshape(NW, K_AGG, CH)
  dst_t = dst_p.reshape(NW, K_AGG, CH)
  deg_idx = jnp.stack([src_p, dst_p]).reshape(2, NS, K_DEG, CH)

  onesw = jnp.ones((CH, DEG_W), jnp.float32)
  zerosw = jnp.zeros((RPT, DEG_W), jnp.float32)
  zerosd = jnp.zeros((RPT, D), jnp.float32)
  x_pad = jnp.concatenate(
      [features, jnp.zeros((ROWS_SH - N, D), jnp.float32)])

  deg = _sc_degrees(deg_idx, onesw, zerosw)
  h1s, scales = _tc_pre(x_pad, W1, deg)
  p1 = _sc_aggregate(h1s, src_t, dst_t, zerosd)
  h2s = _tc_mid(p1, scales, b1.reshape(1, D), gamma1.reshape(1, D),
                beta1.reshape(1, D), W2)
  p2 = _sc_aggregate(h2s, src_t, dst_t, zerosd)
  return _tc_post(p2, scales, b2.reshape(1, D), gamma2.reshape(1, D),
                  beta2.reshape(1, D))

# --- scband reference (transcript-rebuilt; emitter-appended) ---
"""Pipeline reference for scband-gcn-13769665151543 (READ-ONLY COPY).

The authoritative reference and input builder live on the scoring server;
editing this copy changes nothing except your own understanding.
"""

import jax, jax.numpy as jnp
import numpy as np

N_NODES = 10000
D = 128
N_EDGES = 320000
EPS = 1e-5


def _graph_conv(x, src, dst, W, b, n_nodes):
    # DGL GraphConv with norm='both':
    # h = X W ; h_src scaled by out_deg^{-1/2} ; scatter-add to dst ; scale by in_deg^{-1/2} ; + bias ; ELU
    h = x @ W
    out_deg = jnp.clip(jnp.bincount(src, length=n_nodes), 1).astype(h.dtype)
    h = h * (out_deg ** -0.5)[:, None]
    agg = jnp.zeros_like(h).at[dst].add(h[src])
    in_deg = jnp.clip(jnp.bincount(dst, length=n_nodes), 1).astype(h.dtype)
    agg = agg * (in_deg ** -0.5)[:, None]
    agg = agg + b
    return jax.nn.elu(agg)


def _batch_norm(x, gamma, beta):
    mean = jnp.mean(x, axis=0)
    var = jnp.var(x, axis=0)
    return (x - mean) / jnp.sqrt(var + EPS) * gamma + beta


def setup_inputs(seed: int = 0) -> dict:
    key = jax.random.key(seed)
    ks = jax.random.split(key, 12)
    features = jax.random.normal(ks[0], (N_NODES, D), dtype=jnp.float32)
    edge_index = jax.random.randint(ks[1], (2, N_EDGES), 0, N_NODES, dtype=jnp.int64)
    s = 1.0 / np.sqrt(D)
    W1 = jax.random.uniform(ks[2], (D, D), jnp.float32, -s, s)
    b1 = jnp.zeros((D,), jnp.float32)
    gamma1 = jnp.ones((D,), jnp.float32)
    beta1 = jnp.zeros((D,), jnp.float32)
    W2 = jax.random.uniform(ks[3], (D, D), jnp.float32, -s, s)
    b2 = jnp.zeros((D,), jnp.float32)
    gamma2 = jnp.ones((D,), jnp.float32)
    beta2 = jnp.zeros((D,), jnp.float32)
    return {"features": features, "edge_index": edge_index, "W1": W1, "b1": b1,
            "gamma1": gamma1, "beta1": beta1, "W2": W2, "b2": b2,
            "gamma2": gamma2, "beta2": beta2}


def reference(features, edge_index, W1, b1, gamma1, beta1, W2, b2, gamma2, beta2):
    src = edge_index[0]
    dst = edge_index[1]
    # dropout layers act as identity in eval mode
    h1 = _graph_conv(features, src, dst, W1, b1, N_NODES)
    h1 = _batch_norm(h1, gamma1, beta1)
    h2 = _graph_conv(h1, src, dst, W2, b2, N_NODES)
    h2 = _batch_norm(h2, gamma2, beta2)
    return h2

if __name__ == "__main__":
    import jax
    _d = setup_inputs()
    print(jax.jit(kernel)(*tuple(_d.values())))

</pallas_src>

<mosaic_0001>
#map = affine_map<(d0, d1) -> (0, 0, 0, 0)>
#map1 = affine_map<(d0, d1) -> (0, 0)>
#map2 = affine_map<(d0, d1) -> (0, 0, 0)>
module attributes {stable_mosaic.version = 14 : i64} {
  func.func @k(%arg0: i32, %arg1: i32, %arg2: memref<2x16x160x128xi32, #tpu.memory_space<hbm>>, %arg3: memref<128x16xf32, #tpu.memory_space<hbm>>, %arg4: memref<632x16xf32, #tpu.memory_space<hbm>>, %arg5: memref<2x10112x16xf32, #tpu.memory_space<hbm>>, %arg6: memref<160x128xi32, #tpu.memory_space<vmem>>, %arg7: memref<128x16xf32, #tpu.memory_space<vmem>>, %arg8: memref<10112x16xf32, #tpu.memory_space<vmem_shared>>, %arg9: memref<!tpu.dma_semaphore, #tpu.memory_space<semaphore_mem>>) attributes {dimension_semantics = [#tpu.dimension_semantics<core_parallel>, #tpu.dimension_semantics<subcore_parallel>], iteration_bounds = array<i64: 2, 16>, scalar_prefetch = 0 : i64, scratch_operands = 4 : i64, tpu.core_type = #tpu.core_type<sc_vector_subcore>, window_params = [{transform_indices = #map}, {transform_indices = #map1}, {transform_indices = #map1}, {transform_indices = #map2}]} {
    "tpu.region"() ({
      %run_scoped3A = tpu.sem_alloc : memref<!tpu.dma_semaphore, #tpu.memory_space<semaphore_mem>>
      %dma_start3A_64 = arith.constant 0 : i32
      %dma_start3A_65 = arith.constant 0 : i32
      %dma_start3A_66 = tpu.memref_slice %arg2[%arg0, %arg1, %dma_start3A_64, %dma_start3A_65] : memref<2x16x160x128xi32, #tpu.memory_space<hbm>> -> memref<1x1x160x128xi32, #tpu.memory_space<hbm>>
      %dma_start3A_67 = tpu.memref_squeeze %dma_start3A_66 : memref<1x1x160x128xi32, #tpu.memory_space<hbm>> -> memref<160x128xi32, #tpu.memory_space<hbm>>
      %dma_start3A_68 = arith.constant 0 : i32
      %dma_start3A_69 = arith.constant 0 : i32
      %dma_start3A_70 = tpu.memref_slice %arg2[%arg0, %arg1, %dma_start3A_68, %dma_start3A_69] : memref<2x16x160x128xi32, #tpu.memory_space<hbm>> -> memref<1x1x160x128xi32, #tpu.memory_space<hbm>>
      %dma_start3A_71 = tpu.memref_squeeze %dma_start3A_70 : memref<1x1x160x128xi32, #tpu.memory_space<hbm>> -> memref<160x128xi32, #tpu.memory_space<hbm>>
      tpu.enqueue_dma source(%dma_start3A_71 : memref<160x128xi32, #tpu.memory_space<hbm>>) target(%arg6 : memref<160x128xi32, #tpu.memory_space<vmem>>) target_semaphore(%run_scoped3A : memref<!tpu.dma_semaphore, #tpu.memory_space<semaphore_mem>>)
      %dma_wait3A_72 = arith.constant 0 : i32
      %dma_wait3A_73 = arith.constant 0 : i32
      %dma_wait3A_74 = tpu.memref_slice %arg2[%arg0, %arg1, %dma_wait3A_72, %dma_wait3A_73] : memref<2x16x160x128xi32, #tpu.memory_space<hbm>> -> memref<1x1x160x128xi32, #tpu.memory_space<hbm>>
      %dma_wait3A_75 = tpu.memref_squeeze %dma_wait3A_74 : memref<1x1x160x128xi32, #tpu.memory_space<hbm>> -> memref<160x128xi32, #tpu.memory_space<hbm>>
      %dma_wait3A_76 = arith.constant 0 : i32
      %dma_wait3A_77 = arith.constant 0 : i32
      %dma_wait3A_78 = tpu.memref_slice %arg2[%arg0, %arg1, %dma_wait3A_76, %dma_wait3A_77] : memref<2x16x160x128xi32, #tpu.memory_space<hbm>> -> memref<1x1x160x128xi32, #tpu.memory_space<hbm>>
      %dma_wait3A_79 = tpu.memref_squeeze %dma_wait3A_78 : memref<1x1x160x128xi32, #tpu.memory_space<hbm>> -> memref<160x128xi32, #tpu.memory_space<hbm>>
      tpu.wait_dma2 semaphore(%run_scoped3A : memref<!tpu.dma_semaphore, #tpu.memory_space<semaphore_mem>>) src(%dma_wait3A_79 : memref<160x128xi32, #tpu.memory_space<hbm>>) dst(%arg6 : memref<160x128xi32, #tpu.memory_space<vmem>>)
      tpu.yield
    }) : () -> ()
    "tpu.region"() ({
      %run_scoped3A = tpu.sem_alloc : memref<!tpu.dma_semaphore, #tpu.memory_space<semaphore_mem>>
      tpu.enqueue_dma source(%arg3 : memref<128x16xf32, #tpu.memory_space<hbm>>) target(%arg7 : memref<128x16xf32, #tpu.memory_space<vmem>>) target_semaphore(%run_scoped3A : memref<!tpu.dma_semaphore, #tpu.memory_space<semaphore_mem>>)
      tpu.wait_dma2 semaphore(%run_scoped3A : memref<!tpu.dma_semaphore, #tpu.memory_space<semaphore_mem>>) src(%arg3 : memref<128x16xf32, #tpu.memory_space<hbm>>) dst(%arg7 : memref<128x16xf32, #tpu.memory_space<vmem>>)
      tpu.yield
    }) : () -> ()
    %mul3A = arith.constant 632 : i32
    %mul3A_0 = arith.muli %arg1, %mul3A : i32
    "tpu.region"() ({
      %run_scoped3A = tpu.sem_alloc : memref<!tpu.dma_semaphore, #tpu.memory_space<semaphore_mem>>
      %dma_start3A_64 = arith.constant 0 : i32
      %dma_start3A_65 = tpu.memref_slice %arg8[%mul3A_0, %dma_start3A_64] : memref<10112x16xf32, #tpu.memory_space<vmem_shared>> -> memref<632x16xf32, #tpu.memory_space<vmem_shared>>
      tpu.enqueue_dma source(%arg4 : memref<632x16xf32, #tpu.memory_space<hbm>>) target(%dma_start3A_65 : memref<632x16xf32, #tpu.memory_space<vmem_shared>>) target_semaphore(%run_scoped3A : memref<!tpu.dma_semaphore, #tpu.memory_space<semaphore_mem>>)
      %dma_wait3A_66 = arith.constant 0 : i32
      %dma_wait3A_67 = tpu.memref_slice %arg8[%mul3A_0, %dma_wait3A_66] : memref<10112x16xf32, #tpu.memory_space<vmem_shared>> -> memref<632x16xf32, #tpu.memory_space<vmem_shared>>
      tpu.wait_dma2 semaphore(%run_scoped3A : memref<!tpu.dma_semaphore, #tpu.memory_space<semaphore_mem>>) src(%arg4 : memref<632x16xf32, #tpu.memory_space<hbm>>) dst(%dma_wait3A_67 : memref<632x16xf32, #tpu.memory_space<vmem_shared>>)
      tpu.yield
    }) : () -> ()
    %barrier3A = arith.constant 0 : index
    tpu.barrier barrier_id(%barrier3A)
    %dma_start3A = arith.constant 0 : i32
    %dma_start3A_1 = arith.constant 0 : i32
    %dma_start3A_2 = tpu.memref_slice %arg6[%dma_start3A, %dma_start3A_1] : memref<160x128xi32, #tpu.memory_space<vmem>> -> memref<1x128xi32, #tpu.memory_space<vmem>>
    %dma_start3A_3 = tpu.memref_squeeze %dma_start3A_2 : memref<1x128xi32, #tpu.memory_space<vmem>> -> memref<128xi32, #tpu.memory_space<vmem>>
    %dma_start3A_4 = arith.constant 0 : i32
    %dma_start3A_5 = arith.constant 0 : i32
    %dma_start3A_6 = tpu.memref_slice %arg8[%dma_start3A_4, %dma_start3A_5] : memref<10112x16xf32, #tpu.memory_space<vmem_shared>> -> memref<10112x16xf32, #tpu.memory_space<vmem_shared>>
    tpu.enqueue_indirect_dma source(%arg7 : memref<128x16xf32, #tpu.memory_space<vmem>>) target(%dma_start3A_6 : memref<10112x16xf32, #tpu.memory_space<vmem_shared>>) offsets(%dma_start3A_3 : memref<128xi32, #tpu.memory_space<vmem>>) semaphore(%arg9 : memref<!tpu.dma_semaphore, #tpu.memory_space<semaphore_mem>>) {add = true}
    %dma_start3A_7 = arith.constant 1 : i32
    %dma_start3A_8 = arith.constant 0 : i32
    %dma_start3A_9 = tpu.memref_slice %arg6[%dma_start3A_7, %dma_start3A_8] : memref<160x128xi32, #tpu.memory_space<vmem>> -> memref<1x128xi32, #tpu.memory_space<vmem>>
    %dma_start3A_10 = tpu.memref_squeeze %dma_start3A_9 : memref<1x128xi32, #tpu.memory_space<vmem>> -> memref<128xi32, #tpu.memory_space<vmem>>
    %dma_start3A_11 = arith.constant 0 : i32
    %dma_start3A_12 = arith.constant 0 : i32
    %dma_start3A_13 = tpu.memref_slice %arg8[%dma_start3A_11, %dma_start3A_12] : memref<10112x16xf32, #tpu.memory_space<vmem_shared>> -> memref<10112x16xf32, #tpu.memory_space<vmem_shared>>
    tpu.enqueue_indirect_dma source(%arg7 : memref<128x16xf32, #tpu.memory_space<vmem>>) target(%dma_start3A_13 : memref<10112x16xf32, #tpu.memory_space<vmem_shared>>) offsets(%dma_start3A_10 : memref<128xi32, #tpu.memory_space<vmem>>) semaphore(%arg9 : memref<!tpu.dma_semaphore, #tpu.memory_space<semaphore_mem>>) {add = true}
    %dma_start3A_14 = arith.constant 2 : i32
    %dma_start3A_15 = arith.constant 0 : i32
    %dma_start3A_16 = tpu.memref_slice %arg6[%dma_start3A_14, %dma_start3A_15] : memref<160x128xi32, #tpu.memory_space<vmem>> -> memref<1x128xi32, #tpu.memory_space<vmem>>
    %dma_start3A_17 = tpu.memref_squeeze %dma_start3A_16 : memref<1x128xi32, #tpu.memory_space<vmem>> -> memref<128xi32, #tpu.memory_space<vmem>>
    %dma_start3A_18 = arith.constant 0 : i32
    %dma_start3A_19 = arith.constant 0 : i32
    %dma_start3A_20 = tpu.memref_slice %arg8[%dma_start3A_18, %dma_start3A_19] : memref<10112x16xf32, #tpu.memory_space<vmem_shared>> -> memref<10112x16xf32, #tpu.memory_space<vmem_shared>>
    tpu.enqueue_indirect_dma source(%arg7 : memref<128x16xf32, #tpu.memory_space<vmem>>) target(%dma_start3A_20 : memref<10112x16xf32, #tpu.memory_space<vmem_shared>>) offsets(%dma_start3A_17 : memref<128xi32, #tpu.memory_space<vmem>>) semaphore(%arg9 : memref<!tpu.dma_semaphore, #tpu.memory_space<semaphore_mem>>) {add = true}
    %dma_start3A_21 = arith.constant 3 : i32
    %dma_start3A_22 = arith.constant 0 : i32
    %dma_start3A_23 = tpu.memref_slice %arg6[%dma_start3A_21, %dma_start3A_22] : memref<160x128xi32, #tpu.memory_space<vmem>> -> memref<1x128xi32, #tpu.memory_space<vmem>>
    %dma_start3A_24 = tpu.memref_squeeze %dma_start3A_23 : memref<1x128xi32, #tpu.memory_space<vmem>> -> memref<128xi32, #tpu.memory_space<vmem>>
    %dma_start3A_25 = arith.constant 0 : i32
    %dma_start3A_26 = arith.constant 0 : i32
    %dma_start3A_27 = tpu.memref_slice %arg8[%dma_start3A_25, %dma_start3A_26] : memref<10112x16xf32, #tpu.memory_space<vmem_shared>> -> memref<10112x16xf32, #tpu.memory_space<vmem_shared>>
    tpu.enqueue_indirect_dma source(%arg7 : memref<128x16xf32, #tpu.memory_space<vmem>>) target(%dma_start3A_27 : memref<10112x16xf32, #tpu.memory_space<vmem_shared>>) offsets(%dma_start3A_24 : memref<128xi32, #tpu.memory_space<vmem>>) semaphore(%arg9 : memref<!tpu.dma_semaphore, #tpu.memory_space<semaphore_mem>>) {add = true}
    %scan3A = arith.constant 0 : i32
    %scan3A_28 = arith.constant 156 : i32
    %scan3A_29 = arith.addi %scan3A, %scan3A_28 : i32
    %scan3A_30 = arith.constant 1 : i32
    scf.for %scan3A_64 = %scan3A to %scan3A_29 step %scan3A_30  : i32 {
      %mul3A_65 = arith.constant 1 : i32
      %mul3A_66 = arith.muli %scan3A_64, %mul3A_65 : i32
      %add3A = arith.constant 4 : i32
      %add3A_67 = arith.addi %add3A, %mul3A_66 : i32
      %dma_wait3A_68 = arith.constant 0 : i32
      %dma_wait3A_69 = arith.constant 0 : i32
      %dma_wait3A_70 = tpu.memref_slice %arg6[%dma_wait3A_68, %dma_wait3A_69] : memref<160x128xi32, #tpu.memory_space<vmem>> -> memref<1x128xi32, #tpu.memory_space<vmem>>
      %dma_wait3A_71 = tpu.memref_squeeze %dma_wait3A_70 : memref<1x128xi32, #tpu.memory_space<vmem>> -> memref<128xi32, #tpu.memory_space<vmem>>
      %dma_wait3A_72 = arith.constant 0 : i32
      %dma_wait3A_73 = arith.constant 0 : i32
      %dma_wait3A_74 = tpu.memref_slice %arg8[%dma_wait3A_72, %dma_wait3A_73] : memref<10112x16xf32, #tpu.memory_space<vmem_shared>> -> memref<10112x16xf32, #tpu.memory_space<vmem_shared>>
      tpu.wait_indirect_dma semaphore(%arg9 : memref<!tpu.dma_semaphore, #tpu.memory_space<semaphore_mem>>) src(%arg7 : memref<128x16xf32, #tpu.memory_space<vmem>>) dst(%dma_wait3A_74 : memref<10112x16xf32, #tpu.memory_space<vmem_shared>>)
      %dma_start3A_75 = arith.constant 0 : i32
      %dma_start3A_76 = tpu.memref_slice %arg6[%add3A_67, %dma_start3A_75] : memref<160x128xi32, #tpu.memory_space<vmem>> -> memref<1x128xi32, #tpu.memory_space<vmem>>
      %dma_start3A_77 = tpu.memref_squeeze %dma_start3A_76 : memref<1x128xi32, #tpu.memory_space<vmem>> -> memref<128xi32, #tpu.memory_space<vmem>>
      %dma_start3A_78 = arith.constant 0 : i32
      %dma_start3A_79 = arith.constant 0 : i32
      %dma_start3A_80 = tpu.memref_slice %arg8[%dma_start3A_78, %dma_start3A_79] : memref<10112x16xf32, #tpu.memory_space<vmem_shared>> -> memref<10112x16xf32, #tpu.memory_space<vmem_shared>>
      tpu.enqueue_indirect_dma source(%arg7 : memref<128x16xf32, #tpu.memory_space<vmem>>) target(%dma_start3A_80 : memref<10112x16xf32, #tpu.memory_space<vmem_shared>>) offsets(%dma_start3A_77 : memref<128xi32, #tpu.memory_space<vmem>>) semaphore(%arg9 : memref<!tpu.dma_semaphore, #tpu.memory_space<semaphore_mem>>) {add = true}
    }
    %scan3A_31 = arith.constant 156 : i32
    %dma_wait3A = arith.constant 0 : i32
    %dma_wait3A_32 = arith.constant 0 : i32
    %dma_wait3A_33 = tpu.memref_slice %arg6[%dma_wait3A, %dma_wait3A_32] : memref<160x128xi32, #tpu.memory_space<vmem>> -> memref<1x128xi32, #tpu.memory_space<vmem>>
    %dma_wait3A_34 = tpu.memref_squeeze %dma_wait3A_33 : memref<1x128xi32, #tpu.memory_space<vmem>> -> memref<128xi32, #tpu.memory_space<vmem>>
    %dma_wait3A_35 = arith.constant 0 : i32
    %dma_wait3A_36 = arith.constant 0 : i32
    %dma_wait3A_37 = tpu.memref_slice %arg8[%dma_wait3A_35, %dma_wait3A_36] : memref<10112x16xf32, #tpu.memory_space<vmem_shared>> -> memref<10112x16xf32, #tpu.memory_space<vmem_shared>>
    tpu.wait_indirect_dma semaphore(%arg9 : memref<!tpu.dma_semaphore, #tpu.memory_space<semaphore_mem>>) src(%arg7 : memref<128x16xf32, #tpu.memory_space<vmem>>) dst(%dma_wait3A_37 : memref<10112x16xf32, #tpu.memory_space<vmem_shared>>)
    %dma_wait3A_38 = arith.constant 0 : i32
    %dma_wait3A_39 = arith.constant 0 : i32
    %dma_wait3A_40 = tpu.memref_slice %arg6[%dma_wait3A_38, %dma_wait3A_39] : memref<160x128xi32, #tpu.memory_space<vmem>> -> memref<1x128xi32, #tpu.memory_space<vmem>>
    %dma_wait3A_41 = tpu.memref_squeeze %dma_wait3A_40 : memref<1x128xi32, #tpu.memory_space<vmem>> -> memref<128xi32, #tpu.memory_space<vmem>>
    %dma_wait3A_42 = arith.constant 0 : i32
    %dma_wait3A_43 = arith.constant 0 : i32
    %dma_wait3A_44 = tpu.memref_slice %arg8[%dma_wait3A_42, %dma_wait3A_43] : memref<10112x16xf32, #tpu.memory_space<vmem_shared>> -> memref<10112x16xf32, #tpu.memory_space<vmem_shared>>
    tpu.wait_indirect_dma semaphore(%arg9 : memref<!tpu.dma_semaphore, #tpu.memory_space<semaphore_mem>>) src(%arg7 : memref<128x16xf32, #tpu.memory_space<vmem>>) dst(%dma_wait3A_44 : memref<10112x16xf32, #tpu.memory_space<vmem_shared>>)
    %dma_wait3A_45 = arith.constant 0 : i32
    %dma_wait3A_46 = arith.constant 0 : i32
    %dma_wait3A_47 = tpu.memref_slice %arg6[%dma_wait3A_45, %dma_wait3A_46] : memref<160x128xi32, #tpu.memory_space<vmem>> -> memref<1x128xi32, #tpu.memory_space<vmem>>
    %dma_wait3A_48 = tpu.memref_squeeze %dma_wait3A_47 : memref<1x128xi32, #tpu.memory_space<vmem>> -> memref<128xi32, #tpu.memory_space<vmem>>
    %dma_wait3A_49 = arith.constant 0 : i32
    %dma_wait3A_50 = arith.constant 0 : i32
    %dma_wait3A_51 = tpu.memref_slice %arg8[%dma_wait3A_49, %dma_wait3A_50] : memref<10112x16xf32, #tpu.memory_space<vmem_shared>> -> memref<10112x16xf32, #tpu.memory_space<vmem_shared>>
    tpu.wait_indirect_dma semaphore(%arg9 : memref<!tpu.dma_semaphore, #tpu.memory_space<semaphore_mem>>) src(%arg7 : memref<128x16xf32, #tpu.memory_space<vmem>>) dst(%dma_wait3A_51 : memref<10112x16xf32, #tpu.memory_space<vmem_shared>>)
    %dma_wait3A_52 = arith.constant 0 : i32
    %dma_wait3A_53 = arith.constant 0 : i32
    %dma_wait3A_54 = tpu.memref_slice %arg6[%dma_wait3A_52, %dma_wait3A_53] : memref<160x128xi32, #tpu.memory_space<vmem>> -> memref<1x128xi32, #tpu.memory_space<vmem>>
    %dma_wait3A_55 = tpu.memref_squeeze %dma_wait3A_54 : memref<1x128xi32, #tpu.memory_space<vmem>> -> memref<128xi32, #tpu.memory_space<vmem>>
    %dma_wait3A_56 = arith.constant 0 : i32
    %dma_wait3A_57 = arith.constant 0 : i32
    %dma_wait3A_58 = tpu.memref_slice %arg8[%dma_wait3A_56, %dma_wait3A_57] : memref<10112x16xf32, #tpu.memory_space<vmem_shared>> -> memref<10112x16xf32, #tpu.memory_space<vmem_shared>>
    tpu.wait_indirect_dma semaphore(%arg9 : memref<!tpu.dma_semaphore, #tpu.memory_space<semaphore_mem>>) src(%arg7 : memref<128x16xf32, #tpu.memory_space<vmem>>) dst(%dma_wait3A_58 : memref<10112x16xf32, #tpu.memory_space<vmem_shared>>)
    %barrier3A_59 = arith.constant 0 : index
    tpu.barrier barrier_id(%barrier3A_59)
    %mul3A_60 = arith.constant 632 : i32
    %mul3A_61 = arith.muli %arg1, %mul3A_60 : i32
    %mul3A_62 = arith.constant 632 : i32
    %mul3A_63 = arith.muli %arg1, %mul3A_62 : i32
    "tpu.region"() ({
      %run_scoped3A = tpu.sem_alloc : memref<!tpu.dma_semaphore, #tpu.memory_space<semaphore_mem>>
      %dma_start3A_64 = arith.constant 0 : i32
      %dma_start3A_65 = tpu.memref_slice %arg5[%arg0, %mul3A_63, %dma_start3A_64] : memref<2x10112x16xf32, #tpu.memory_space<hbm>> -> memref<1x632x16xf32, #tpu.memory_space<hbm>>
      %dma_start3A_66 = tpu.memref_squeeze %dma_start3A_65 : memref<1x632x16xf32, #tpu.memory_space<hbm>> -> memref<632x16xf32, #tpu.memory_space<hbm>>
      %dma_start3A_67 = arith.constant 0 : i32
      %dma_start3A_68 = tpu.memref_slice %arg8[%mul3A_61, %dma_start3A_67] : memref<10112x16xf32, #tpu.memory_space<vmem_shared>> -> memref<632x16xf32, #tpu.memory_space<vmem_shared>>
      tpu.enqueue_dma source(%dma_start3A_68 : memref<632x16xf32, #tpu.memory_space<vmem_shared>>) target(%dma_start3A_66 : memref<632x16xf32, #tpu.memory_space<hbm>>) target_semaphore(%run_scoped3A : memref<!tpu.dma_semaphore, #tpu.memory_space<semaphore_mem>>)
      %dma_wait3A_69 = arith.constant 0 : i32
      %dma_wait3A_70 = tpu.memref_slice %arg5[%arg0, %mul3A_63, %dma_wait3A_69] : memref<2x10112x16xf32, #tpu.memory_space<hbm>> -> memref<1x632x16xf32, #tpu.memory_space<hbm>>
      %dma_wait3A_71 = tpu.memref_squeeze %dma_wait3A_70 : memref<1x632x16xf32, #tpu.memory_space<hbm>> -> memref<632x16xf32, #tpu.memory_space<hbm>>
      %dma_wait3A_72 = arith.constant 0 : i32
      %dma_wait3A_73 = tpu.memref_slice %arg8[%mul3A_61, %dma_wait3A_72] : memref<10112x16xf32, #tpu.memory_space<vmem_shared>> -> memref<632x16xf32, #tpu.memory_space<vmem_shared>>
      tpu.wait_dma2 semaphore(%run_scoped3A : memref<!tpu.dma_semaphore, #tpu.memory_space<semaphore_mem>>) src(%dma_wait3A_73 : memref<632x16xf32, #tpu.memory_space<vmem_shared>>) dst(%dma_wait3A_71 : memref<632x16xf32, #tpu.memory_space<hbm>>)
      tpu.yield
    }) : () -> ()
    return
  }
}

#map = affine_map<(d0, d1) -> (0, 0)>
#map1 = affine_map<(d0, d1) -> (0, 0, 0)>
module attributes {stable_mosaic.version = 14 : i64} {
  func.func @k(%arg0: i32, %arg1: i32, %arg2: memref<10112x128xf32, #tpu.memory_space<hbm>>, %arg3: memref<32x80x128xi32, #tpu.memory_space<hbm>>, %arg4: memref<32x80x128xi32, #tpu.memory_space<hbm>>, %arg5: memref<632x128xf32, #tpu.memory_space<hbm>>, %arg6: memref<2x10112x128xf32, #tpu.memory_space<hbm>>, %arg7: memref<40x128xi32, #tpu.memory_space<vmem>>, %arg8: memref<40x128xi32, #tpu.memory_space<vmem>>, %arg9: memref<128x128xf32, #tpu.memory_space<vmem>>, %arg10: memref<128x128xf32, #tpu.memory_space<vmem>>, %arg11: memref<10112x128xf32, #tpu.memory_space<vmem_shared>>, %arg12: memref<!tpu.dma_semaphore, #tpu.memory_space<semaphore_mem>>, %arg13: memref<!tpu.dma_semaphore, #tpu.memory_space<semaphore_mem>>) attributes {dimension_semantics = [#tpu.dimension_semantics<core_parallel>, #tpu.dimension_semantics<subcore_parallel>], iteration_bounds = array<i64: 2, 16>, scalar_prefetch = 0 : i64, scratch_operands = 7 : i64, tpu.core_type = #tpu.core_type<sc_vector_subcore>, window_params = [{transform_indices = #map}, {transform_indices = #map1}, {transform_indices = #map1}, {transform_indices = #map}, {transform_indices = #map1}]} {
    %mul3A = arith.constant 16 : i32
    %mul3A_0 = arith.muli %arg0, %mul3A : i32
    %add3A = arith.addi %mul3A_0, %arg1 : i32
    %mul3A_1 = arith.constant 632 : i32
    %mul3A_2 = arith.muli %arg1, %mul3A_1 : i32
    "tpu.region"() ({
      %run_scoped3A_74 = tpu.sem_alloc : memref<!tpu.dma_semaphore, #tpu.memory_space<semaphore_mem>>
      %dma_start3A_75 = arith.constant 0 : i32
      %dma_start3A_76 = tpu.memref_slice %arg11[%mul3A_2, %dma_start3A_75] : memref<10112x128xf32, #tpu.memory_space<vmem_shared>> -> memref<632x128xf32, #tpu.memory_space<vmem_shared>>
      tpu.enqueue_dma source(%arg5 : memref<632x128xf32, #tpu.memory_space<hbm>>) target(%dma_start3A_76 : memref<632x128xf32, #tpu.memory_space<vmem_shared>>) target_semaphore(%run_scoped3A_74 : memref<!tpu.dma_semaphore, #tpu.memory_space<semaphore_mem>>)
      %dma_wait3A_77 = arith.constant 0 : i32
      %dma_wait3A_78 = tpu.memref_slice %arg11[%mul3A_2, %dma_wait3A_77] : memref<10112x128xf32, #tpu.memory_space<vmem_shared>> -> memref<632x128xf32, #tpu.memory_space<vmem_shared>>
      tpu.wait_dma2 semaphore(%run_scoped3A_74 : memref<!tpu.dma_semaphore, #tpu.memory_space<semaphore_mem>>) src(%arg5 : memref<632x128xf32, #tpu.memory_space<hbm>>) dst(%dma_wait3A_78 : memref<632x128xf32, #tpu.memory_space<vmem_shared>>)
      tpu.yield
    }) : () -> ()
    %barrier3A = arith.constant 0 : index
    tpu.barrier barrier_id(%barrier3A)
    "tpu.region"() ({
      %run_scoped3A_74 = tpu.sem_alloc : memref<!tpu.dma_semaphore, #tpu.memory_space<semaphore_mem>>
      %dma_start3A_75 = arith.constant 0 : i32
      %dma_start3A_76 = arith.constant 0 : i32
      %dma_start3A_77 = tpu.memref_slice %arg3[%add3A, %dma_start3A_75, %dma_start3A_76] : memref<32x80x128xi32, #tpu.memory_space<hbm>> -> memref<1x40x128xi32, #tpu.memory_space<hbm>>
      %dma_start3A_78 = tpu.memref_squeeze %dma_start3A_77 : memref<1x40x128xi32, #tpu.memory_space<hbm>> -> memref<40x128xi32, #tpu.memory_space<hbm>>
      %dma_start3A_79 = arith.constant 0 : i32
      %dma_start3A_80 = arith.constant 0 : i32
      %dma_start3A_81 = tpu.memref_slice %arg3[%add3A, %dma_start3A_79, %dma_start3A_80] : memref<32x80x128xi32, #tpu.memory_space<hbm>> -> memref<1x40x128xi32, #tpu.memory_space<hbm>>
      %dma_start3A_82 = tpu.memref_squeeze %dma_start3A_81 : memref<1x40x128xi32, #tpu.memory_space<hbm>> -> memref<40x128xi32, #tpu.memory_space<hbm>>
      tpu.enqueue_dma source(%dma_start3A_82 : memref<40x128xi32, #tpu.memory_space<hbm>>) target(%arg7 : memref<40x128xi32, #tpu.memory_space<vmem>>) target_semaphore(%run_scoped3A_74 : memref<!tpu.dma_semaphore, #tpu.memory_space<semaphore_mem>>)
      %dma_wait3A_83 = arith.constant 0 : i32
      %dma_wait3A_84 = arith.constant 0 : i32
      %dma_wait3A_85 = tpu.memref_slice %arg3[%add3A, %dma_wait3A_83, %dma_wait3A_84] : memref<32x80x128xi32, #tpu.memory_space<hbm>> -> memref<1x40x128xi32, #tpu.memory_space<hbm>>
      %dma_wait3A_86 = tpu.memref_squeeze %dma_wait3A_85 : memref<1x40x128xi32, #tpu.memory_space<hbm>> -> memref<40x128xi32, #tpu.memory_space<hbm>>
      %dma_wait3A_87 = arith.constant 0 : i32
      %dma_wait3A_88 = arith.constant 0 : i32
      %dma_wait3A_89 = tpu.memref_slice %arg3[%add3A, %dma_wait3A_87, %dma_wait3A_88] : memref<32x80x128xi32, #tpu.memory_space<hbm>> -> memref<1x40x128xi32, #tpu.memory_space<hbm>>
      %dma_wait3A_90 = tpu.memref_squeeze %dma_wait3A_89 : memref<1x40x128xi32, #tpu.memory_space<hbm>> -> memref<40x128xi32, #tpu.memory_space<hbm>>
      tpu.wait_dma2 semaphore(%run_scoped3A_74 : memref<!tpu.dma_semaphore, #tpu.memory_space<semaphore_mem>>) src(%dma_wait3A_90 : memref<40x128xi32, #tpu.memory_space<hbm>>) dst(%arg7 : memref<40x128xi32, #tpu.memory_space<vmem>>)
      tpu.yield
    }) : () -> ()
    "tpu.region"() ({
      %run_scoped3A_74 = tpu.sem_alloc : memref<!tpu.dma_semaphore, #tpu.memory_space<semaphore_mem>>
      %dma_start3A_75 = arith.constant 0 : i32
      %dma_start3A_76 = arith.constant 0 : i32
      %dma_start3A_77 = tpu.memref_slice %arg4[%add3A, %dma_start3A_75, %dma_start3A_76] : memref<32x80x128xi32, #tpu.memory_space<hbm>> -> memref<1x40x128xi32, #tpu.memory_space<hbm>>
      %dma_start3A_78 = tpu.memref_squeeze %dma_start3A_77 : memref<1x40x128xi32, #tpu.memory_space<hbm>> -> memref<40x128xi32, #tpu.memory_space<hbm>>
      %dma_start3A_79 = arith.constant 0 : i32
      %dma_start3A_80 = arith.constant 0 : i32
      %dma_start3A_81 = tpu.memref_slice %arg4[%add3A, %dma_start3A_79, %dma_start3A_80] : memref<32x80x128xi32, #tpu.memory_space<hbm>> -> memref<1x40x128xi32, #tpu.memory_space<hbm>>
      %dma_start3A_82 = tpu.memref_squeeze %dma_start3A_81 : memref<1x40x128xi32, #tpu.memory_space<hbm>> -> memref<40x128xi32, #tpu.memory_space<hbm>>
      tpu.enqueue_dma source(%dma_start3A_82 : memref<40x128xi32, #tpu.memory_space<hbm>>) target(%arg8 : memref<40x128xi32, #tpu.memory_space<vmem>>) target_semaphore(%run_scoped3A_74 : memref<!tpu.dma_semaphore, #tpu.memory_space<semaphore_mem>>)
      %dma_wait3A_83 = arith.constant 0 : i32
      %dma_wait3A_84 = arith.constant 0 : i32
      %dma_wait3A_85 = tpu.memref_slice %arg4[%add3A, %dma_wait3A_83, %dma_wait3A_84] : memref<32x80x128xi32, #tpu.memory_space<hbm>> -> memref<1x40x128xi32, #tpu.memory_space<hbm>>
      %dma_wait3A_86 = tpu.memref_squeeze %dma_wait3A_85 : memref<1x40x128xi32, #tpu.memory_space<hbm>> -> memref<40x128xi32, #tpu.memory_space<hbm>>
      %dma_wait3A_87 = arith.constant 0 : i32
      %dma_wait3A_88 = arith.constant 0 : i32
      %dma_wait3A_89 = tpu.memref_slice %arg4[%add3A, %dma_wait3A_87, %dma_wait3A_88] : memref<32x80x128xi32, #tpu.memory_space<hbm>> -> memref<1x40x128xi32, #tpu.memory_space<hbm>>
      %dma_wait3A_90 = tpu.memref_squeeze %dma_wait3A_89 : memref<1x40x128xi32, #tpu.memory_space<hbm>> -> memref<40x128xi32, #tpu.memory_space<hbm>>
      tpu.wait_dma2 semaphore(%run_scoped3A_74 : memref<!tpu.dma_semaphore, #tpu.memory_space<semaphore_mem>>) src(%dma_wait3A_90 : memref<40x128xi32, #tpu.memory_space<hbm>>) dst(%arg8 : memref<40x128xi32, #tpu.memory_space<vmem>>)
      tpu.yield
    }) : () -> ()
    %dma_start3A = arith.constant 0 : i32
    %dma_start3A_3 = arith.constant 0 : i32
    %dma_start3A_4 = tpu.memref_slice %arg7[%dma_start3A, %dma_start3A_3] : memref<40x128xi32, #tpu.memory_space<vmem>> -> memref<1x128xi32, #tpu.memory_space<vmem>>
    %dma_start3A_5 = tpu.memref_squeeze %dma_start3A_4 : memref<1x128xi32, #tpu.memory_space<vmem>> -> memref<128xi32, #tpu.memory_space<vmem>>
    %dma_start3A_6 = arith.constant 0 : i32
    %dma_start3A_7 = arith.constant 0 : i32
    %dma_start3A_8 = tpu.memref_slice %arg2[%dma_start3A_6, %dma_start3A_7] : memref<10112x128xf32, #tpu.memory_space<hbm>> -> memref<10112x128xf32, #tpu.memory_space<hbm>>
    tpu.enqueue_indirect_dma source(%dma_start3A_8 : memref<10112x128xf32, #tpu.memory_space<hbm>>) target(%arg9 : memref<128x128xf32, #tpu.memory_space<vmem>>) offsets(%dma_start3A_5 : memref<128xi32, #tpu.memory_space<vmem>>) semaphore(%arg12 : memref<!tpu.dma_semaphore, #tpu.memory_space<semaphore_mem>>)
    %scan3A = arith.constant 0 : i32
    %scan3A_9 = arith.constant 19 : i32
    %scan3A_10 = arith.addi %scan3A, %scan3A_9 : i32
    %scan3A_11 = arith.constant 1 : i32
    scf.for %scan3A_74 = %scan3A to %scan3A_10 step %scan3A_11  : i32 {
      %mul3A_75 = arith.constant 2 : i32
      %mul3A_76 = arith.muli %scan3A_74, %mul3A_75 : i32
      %add3A_77 = arith.constant 0 : i32
      %add3A_78 = arith.addi %add3A_77, %mul3A_76 : i32
      %dma_wait3A_79 = arith.constant 0 : i32
      %dma_wait3A_80 = arith.constant 0 : i32
      %dma_wait3A_81 = tpu.memref_slice %arg7[%dma_wait3A_79, %dma_wait3A_80] : memref<40x128xi32, #tpu.memory_space<vmem>> -> memref<1x128xi32, #tpu.memory_space<vmem>>
      %dma_wait3A_82 = tpu.memref_squeeze %dma_wait3A_81 : memref<1x128xi32, #tpu.memory_space<vmem>> -> memref<128xi32, #tpu.memory_space<vmem>>
      %dma_wait3A_83 = arith.constant 0 : i32
      %dma_wait3A_84 = arith.constant 0 : i32
      %dma_wait3A_85 = tpu.memref_slice %arg2[%dma_wait3A_83, %dma_wait3A_84] : memref<10112x128xf32, #tpu.memory_space<hbm>> -> memref<10112x128xf32, #tpu.memory_space<hbm>>
      tpu.wait_indirect_dma semaphore(%arg12 : memref<!tpu.dma_semaphore, #tpu.memory_space<semaphore_mem>>) src(%dma_wait3A_85 : memref<10112x128xf32, #tpu.memory_space<hbm>>) dst(%arg9 : memref<128x128xf32, #tpu.memory_space<vmem>>)
      %add3A_86 = arith.constant 1 : i32
      %add3A_87 = arith.addi %add3A_78, %add3A_86 : i32
      %dma_start3A_88 = arith.constant 0 : i32
      %dma_start3A_89 = tpu.memref_slice %arg7[%add3A_87, %dma_start3A_88] : memref<40x128xi32, #tpu.memory_space<vmem>> -> memref<1x128xi32, #tpu.memory_space<vmem>>
      %dma_start3A_90 = tpu.memref_squeeze %dma_start3A_89 : memref<1x128xi32, #tpu.memory_space<vmem>> -> memref<128xi32, #tpu.memory_space<vmem>>
      %dma_start3A_91 = arith.constant 0 : i32
      %dma_start3A_92 = arith.constant 0 : i32
      %dma_start3A_93 = tpu.memref_slice %arg2[%dma_start3A_91, %dma_start3A_92] : memref<10112x128xf32, #tpu.memory_space<hbm>> -> memref<10112x128xf32, #tpu.memory_space<hbm>>
      tpu.enqueue_indirect_dma source(%dma_start3A_93 : memref<10112x128xf32, #tpu.memory_space<hbm>>) target(%arg10 : memref<128x128xf32, #tpu.memory_space<vmem>>) offsets(%dma_start3A_90 : memref<128xi32, #tpu.memory_space<vmem>>) semaphore(%arg13 : memref<!tpu.dma_semaphore, #tpu.memory_space<semaphore_mem>>)
      "tpu.region"() ({
        %run_scoped3A_111 = tpu.sem_alloc : memref<!tpu.dma_semaphore, #tpu.memory_space<semaphore_mem>>
        %dma_start3A_112 = arith.constant 0 : i32
        %dma_start3A_113 = tpu.memref_slice %arg8[%add3A_78, %dma_start3A_112] : memref<40x128xi32, #tpu.memory_space<vmem>> -> memref<1x128xi32, #tpu.memory_space<vmem>>
        %dma_start3A_114 = tpu.memref_squeeze %dma_start3A_113 : memref<1x128xi32, #tpu.memory_space<vmem>> -> memref<128xi32, #tpu.memory_space<vmem>>
        %dma_start3A_115 = arith.constant 0 : i32
        %dma_start3A_116 = arith.constant 0 : i32
        %dma_start3A_117 = tpu.memref_slice %arg11[%dma_start3A_115, %dma_start3A_116] : memref<10112x128xf32, #tpu.memory_space<vmem_shared>> -> memref<10112x128xf32, #tpu.memory_space<vmem_shared>>
        tpu.enqueue_indirect_dma source(%arg9 : memref<128x128xf32, #tpu.memory_space<vmem>>) target(%dma_start3A_117 : memref<10112x128xf32, #tpu.memory_space<vmem_shared>>) offsets(%dma_start3A_114 : memref<128xi32, #tpu.memory_space<vmem>>) semaphore(%run_scoped3A_111 : memref<!tpu.dma_semaphore, #tpu.memory_space<semaphore_mem>>) {add = true}
        %dma_wait3A_118 = arith.constant 0 : i32
        %dma_wait3A_119 = tpu.memref_slice %arg8[%add3A_78, %dma_wait3A_118] : memref<40x128xi32, #tpu.memory_space<vmem>> -> memref<1x128xi32, #tpu.memory_space<vmem>>
        %dma_wait3A_120 = tpu.memref_squeeze %dma_wait3A_119 : memref<1x128xi32, #tpu.memory_space<vmem>> -> memref<128xi32, #tpu.memory_space<vmem>>
        %dma_wait3A_121 = arith.constant 0 : i32
        %dma_wait3A_122 = arith.constant 0 : i32
        %dma_wait3A_123 = tpu.memref_slice %arg11[%dma_wait3A_121, %dma_wait3A_122] : memref<10112x128xf32, #tpu.memory_space<vmem_shared>> -> memref<10112x128xf32, #tpu.memory_space<vmem_shared>>
        tpu.wait_indirect_dma semaphore(%run_scoped3A_111 : memref<!tpu.dma_semaphore, #tpu.memory_space<semaphore_mem>>) src(%arg9 : memref<128x128xf32, #tpu.memory_space<vmem>>) dst(%dma_wait3A_123 : memref<10112x128xf32, #tpu.memory_space<vmem_shared>>)
        tpu.yield
      }) : () -> ()
      %dma_wait3A_94 = arith.constant 0 : i32
      %dma_wait3A_95 = arith.constant 0 : i32
      %dma_wait3A_96 = tpu.memref_slice %arg7[%dma_wait3A_94, %dma_wait3A_95] : memref<40x128xi32, #tpu.memory_space<vmem>> -> memref<1x128xi32, #tpu.memory_space<vmem>>
      %dma_wait3A_97 = tpu.memref_squeeze %dma_wait3A_96 : memref<1x128xi32, #tpu.memory_space<vmem>> -> memref<128xi32, #tpu.memory_space<vmem>>
      %dma_wait3A_98 = arith.constant 0 : i32
      %dma_wait3A_99 = arith.constant 0 : i32
      %dma_wait3A_100 = tpu.memref_slice %arg2[%dma_wait3A_98, %dma_wait3A_99] : memref<10112x128xf32, #tpu.memory_space<hbm>> -> memref<10112x128xf32, #tpu.memory_space<hbm>>
      tpu.wait_indirect_dma semaphore(%arg13 : memref<!tpu.dma_semaphore, #tpu.memory_space<semaphore_mem>>) src(%dma_wait3A_100 : memref<10112x128xf32, #tpu.memory_space<hbm>>) dst(%arg10 : memref<128x128xf32, #tpu.memory_space<vmem>>)
      %add3A_101 = arith.constant 2 : i32
      %add3A_102 = arith.addi %add3A_78, %add3A_101 : i32
      %dma_start3A_103 = arith.constant 0 : i32
      %dma_start3A_104 = tpu.memref_slice %arg7[%add3A_102, %dma_start3A_103] : memref<40x128xi32, #tpu.memory_space<vmem>> -> memref<1x128xi32, #tpu.memory_space<vmem>>
      %dma_start3A_105 = tpu.memref_squeeze %dma_start3A_104 : memref<1x128xi32, #tpu.memory_space<vmem>> -> memref<128xi32, #tpu.memory_space<vmem>>
      %dma_start3A_106 = arith.constant 0 : i32
      %dma_start3A_107 = arith.constant 0 : i32
      %dma_start3A_108 = tpu.memref_slice %arg2[%dma_start3A_106, %dma_start3A_107] : memref<10112x128xf32, #tpu.memory_space<hbm>> -> memref<10112x128xf32, #tpu.memory_space<hbm>>
      tpu.enqueue_indirect_dma source(%dma_start3A_108 : memref<10112x128xf32, #tpu.memory_space<hbm>>) target(%arg9 : memref<128x128xf32, #tpu.memory_space<vmem>>) offsets(%dma_start3A_105 : memref<128xi32, #tpu.memory_space<vmem>>) semaphore(%arg12 : memref<!tpu.dma_semaphore, #tpu.memory_space<semaphore_mem>>)
      %add3A_109 = arith.constant 1 : i32
      %add3A_110 = arith.addi %add3A_78, %add3A_109 : i32
      "tpu.region"() ({
        %run_scoped3A_111 = tpu.sem_alloc : memref<!tpu.dma_semaphore, #tpu.memory_space<semaphore_mem>>
        %dma_start3A_112 = arith.constant 0 : i32
        %dma_start3A_113 = tpu.memref_slice %arg8[%add3A_110, %dma_start3A_112] : memref<40x128xi32, #tpu.memory_space<vmem>> -> memref<1x128xi32, #tpu.memory_space<vmem>>
        %dma_start3A_114 = tpu.memref_squeeze %dma_start3A_113 : memref<1x128xi32, #tpu.memory_space<vmem>> -> memref<128xi32, #tpu.memory_space<vmem>>
        %dma_start3A_115 = arith.constant 0 : i32
        %dma_start3A_116 = arith.constant 0 : i32
        %dma_start3A_117 = tpu.memref_slice %arg11[%dma_start3A_115, %dma_start3A_116] : memref<10112x128xf32, #tpu.memory_space<vmem_shared>> -> memref<10112x128xf32, #tpu.memory_space<vmem_shared>>
        tpu.enqueue_indirect_dma source(%arg10 : memref<128x128xf32, #tpu.memory_space<vmem>>) target(%dma_start3A_117 : memref<10112x128xf32, #tpu.memory_space<vmem_shared>>) offsets(%dma_start3A_114 : memref<128xi32, #tpu.memory_space<vmem>>) semaphore(%run_scoped3A_111 : memref<!tpu.dma_semaphore, #tpu.memory_space<semaphore_mem>>) {add = true}
        %dma_wait3A_118 = arith.constant 0 : i32
        %dma_wait3A_119 = tpu.memref_slice %arg8[%add3A_110, %dma_wait3A_118] : memref<40x128xi32, #tpu.memory_space<vmem>> -> memref<1x128xi32, #tpu.memory_space<vmem>>
        %dma_wait3A_120 = tpu.memref_squeeze %dma_wait3A_119 : memref<1x128xi32, #tpu.memory_space<vmem>> -> memref<128xi32, #tpu.memory_space<vmem>>
        %dma_wait3A_121 = arith.constant 0 : i32
        %dma_wait3A_122 = arith.constant 0 : i32
        %dma_wait3A_123 = tpu.memref_slice %arg11[%dma_wait3A_121, %dma_wait3A_122] : memref<10112x128xf32, #tpu.memory_space<vmem_shared>> -> memref<10112x128xf32, #tpu.memory_space<vmem_shared>>
        tpu.wait_indirect_dma semaphore(%run_scoped3A_111 : memref<!tpu.dma_semaphore, #tpu.memory_space<semaphore_mem>>) src(%arg10 : memref<128x128xf32, #tpu.memory_space<vmem>>) dst(%dma_wait3A_123 : memref<10112x128xf32, #tpu.memory_space<vmem_shared>>)
        tpu.yield
      }) : () -> ()
    }
    %scan3A_12 = arith.constant 19 : i32
    %dma_wait3A = arith.constant 0 : i32
    %dma_wait3A_13 = arith.constant 0 : i32
    %dma_wait3A_14 = tpu.memref_slice %arg7[%dma_wait3A, %dma_wait3A_13] : memref<40x128xi32, #tpu.memory_space<vmem>> -> memref<1x128xi32, #tpu.memory_space<vmem>>
    %dma_wait3A_15 = tpu.memref_squeeze %dma_wait3A_14 : memref<1x128xi32, #tpu.memory_space<vmem>> -> memref<128xi32, #tpu.memory_space<vmem>>
    %dma_wait3A_16 = arith.constant 0 : i32
    %dma_wait3A_17 = arith.constant 0 : i32
    %dma_wait3A_18 = tpu.memref_slice %arg2[%dma_wait3A_16, %dma_wait3A_17] : memref<10112x128xf32, #tpu.memory_space<hbm>> -> memref<10112x128xf32, #tpu.memory_space<hbm>>
    tpu.wait_indirect_dma semaphore(%arg12 : memref<!tpu.dma_semaphore, #tpu.memory_space<semaphore_mem>>) src(%dma_wait3A_18 : memref<10112x128xf32, #tpu.memory_space<hbm>>) dst(%arg9 : memref<128x128xf32, #tpu.memory_space<vmem>>)
    %dma_start3A_19 = arith.constant 39 : i32
    %dma_start3A_20 = arith.constant 0 : i32
    %dma_start3A_21 = tpu.memref_slice %arg7[%dma_start3A_19, %dma_start3A_20] : memref<40x128xi32, #tpu.memory_space<vmem>> -> memref<1x128xi32, #tpu.memory_space<vmem>>
    %dma_start3A_22 = tpu.memref_squeeze %dma_start3A_21 : memref<1x128xi32, #tpu.memory_space<vmem>> -> memref<128xi32, #tpu.memory_space<vmem>>
    %dma_start3A_23 = arith.constant 0 : i32
    %dma_start3A_24 = arith.constant 0 : i32
    %dma_start3A_25 = tpu.memref_slice %arg2[%dma_start3A_23, %dma_start3A_24] : memref<10112x128xf32, #tpu.memory_space<hbm>> -> memref<10112x128xf32, #tpu.memory_space<hbm>>
    tpu.enqueue_indirect_dma source(%dma_start3A_25 : memref<10112x128xf32, #tpu.memory_space<hbm>>) target(%arg10 : memref<128x128xf32, #tpu.memory_space<vmem>>) offsets(%dma_start3A_22 : memref<128xi32, #tpu.memory_space<vmem>>) semaphore(%arg13 : memref<!tpu.dma_semaphore, #tpu.memory_space<semaphore_mem>>)
    %run_scoped3A = arith.constant 38 : i32
    "tpu.region"() ({
      %run_scoped3A_74 = tpu.sem_alloc : memref<!tpu.dma_semaphore, #tpu.memory_space<semaphore_mem>>
      %dma_start3A_75 = arith.constant 0 : i32
      %dma_start3A_76 = tpu.memref_slice %arg8[%run_scoped3A, %dma_start3A_75] : memref<40x128xi32, #tpu.memory_space<vmem>> -> memref<1x128xi32, #tpu.memory_space<vmem>>
      %dma_start3A_77 = tpu.memref_squeeze %dma_start3A_76 : memref<1x128xi32, #tpu.memory_space<vmem>> -> memref<128xi32, #tpu.memory_space<vmem>>
      %dma_start3A_78 = arith.constant 0 : i32
      %dma_start3A_79 = arith.constant 0 : i32
      %dma_start3A_80 = tpu.memref_slice %arg11[%dma_start3A_78, %dma_start3A_79] : memref<10112x128xf32, #tpu.memory_space<vmem_shared>> -> memref<10112x128xf32, #tpu.memory_space<vmem_shared>>
      tpu.enqueue_indirect_dma source(%arg9 : memref<128x128xf32, #tpu.memory_space<vmem>>) target(%dma_start3A_80 : memref<10112x128xf32, #tpu.memory_space<vmem_shared>>) offsets(%dma_start3A_77 : memref<128xi32, #tpu.memory_space<vmem>>) semaphore(%run_scoped3A_74 : memref<!tpu.dma_semaphore, #tpu.memory_space<semaphore_mem>>) {add = true}
      %dma_wait3A_81 = arith.constant 0 : i32
      %dma_wait3A_82 = tpu.memref_slice %arg8[%run_scoped3A, %dma_wait3A_81] : memref<40x128xi32, #tpu.memory_space<vmem>> -> memref<1x128xi32, #tpu.memory_space<vmem>>
      %dma_wait3A_83 = tpu.memref_squeeze %dma_wait3A_82 : memref<1x128xi32, #tpu.memory_space<vmem>> -> memref<128xi32, #tpu.memory_space<vmem>>
      %dma_wait3A_84 = arith.constant 0 : i32
      %dma_wait3A_85 = arith.constant 0 : i32
      %dma_wait3A_86 = tpu.memref_slice %arg11[%dma_wait3A_84, %dma_wait3A_85] : memref<10112x128xf32, #tpu.memory_space<vmem_shared>> -> memref<10112x128xf32, #tpu.memory_space<vmem_shared>>
      tpu.wait_indirect_dma semaphore(%run_scoped3A_74 : memref<!tpu.dma_semaphore, #tpu.memory_space<semaphore_mem>>) src(%arg9 : memref<128x128xf32, #tpu.memory_space<vmem>>) dst(%dma_wait3A_86 : memref<10112x128xf32, #tpu.memory_space<vmem_shared>>)
      tpu.yield
    }) : () -> ()
    %dma_wait3A_26 = arith.constant 0 : i32
    %dma_wait3A_27 = arith.constant 0 : i32
    %dma_wait3A_28 = tpu.memref_slice %arg7[%dma_wait3A_26, %dma_wait3A_27] : memref<40x128xi32, #tpu.memory_space<vmem>> -> memref<1x128xi32, #tpu.memory_space<vmem>>
    %dma_wait3A_29 = tpu.memref_squeeze %dma_wait3A_28 : memref<1x128xi32, #tpu.memory_space<vmem>> -> memref<128xi32, #tpu.memory_space<vmem>>
    %dma_wait3A_30 = arith.constant 0 : i32
    %dma_wait3A_31 = arith.constant 0 : i32
    %dma_wait3A_32 = tpu.memref_slice %arg2[%dma_wait3A_30, %dma_wait3A_31] : memref<10112x128xf32, #tpu.memory_space<hbm>> -> memref<10112x128xf32, #tpu.memory_space<hbm>>
    tpu.wait_indirect_dma semaphore(%arg13 : memref<!tpu.dma_semaphore, #tpu.memory_space<semaphore_mem>>) src(%dma_wait3A_32 : memref<10112x128xf32, #tpu.memory_space<hbm>>) dst(%arg10 : memref<128x128xf32, #tpu.memory_space<vmem>>)
    %run_scoped3A_33 = arith.constant 39 : i32
    "tpu.region"() ({
      %run_scoped3A_74 = tpu.sem_alloc : memref<!tpu.dma_semaphore, #tpu.memory_space<semaphore_mem>>
      %dma_start3A_75 = arith.constant 0 : i32
      %dma_start3A_76 = tpu.memref_slice %arg8[%run_scoped3A_33, %dma_start3A_75] : memref<40x128xi32, #tpu.memory_space<vmem>> -> memref<1x128xi32, #tpu.memory_space<vmem>>
      %dma_start3A_77 = tpu.memref_squeeze %dma_start3A_76 : memref<1x128xi32, #tpu.memory_space<vmem>> -> memref<128xi32, #tpu.memory_space<vmem>>
      %dma_start3A_78 = arith.constant 0 : i32
      %dma_start3A_79 = arith.constant 0 : i32
      %dma_start3A_80 = tpu.memref_slice %arg11[%dma_start3A_78, %dma_start3A_79] : memref<10112x128xf32, #tpu.memory_space<vmem_shared>> -> memref<10112x128xf32, #tpu.memory_space<vmem_shared>>
      tpu.enqueue_indirect_dma source(%arg10 : memref<128x128xf32, #tpu.memory_space<vmem>>) target(%dma_start3A_80 : memref<10112x128xf32, #tpu.memory_space<vmem_shared>>) offsets(%dma_start3A_77 : memref<128xi32, #tpu.memory_space<vmem>>) semaphore(%run_scoped3A_74 : memref<!tpu.dma_semaphore, #tpu.memory_space<semaphore_mem>>) {add = true}
      %dma_wait3A_81 = arith.constant 0 : i32
      %dma_wait3A_82 = tpu.memref_slice %arg8[%run_scoped3A_33, %dma_wait3A_81] : memref<40x128xi32, #tpu.memory_space<vmem>> -> memref<1x128xi32, #tpu.memory_space<vmem>>
      %dma_wait3A_83 = tpu.memref_squeeze %dma_wait3A_82 : memref<1x128xi32, #tpu.memory_space<vmem>> -> memref<128xi32, #tpu.memory_space<vmem>>
      %dma_wait3A_84 = arith.constant 0 : i32
      %dma_wait3A_85 = arith.constant 0 : i32
      %dma_wait3A_86 = tpu.memref_slice %arg11[%dma_wait3A_84, %dma_wait3A_85] : memref<10112x128xf32, #tpu.memory_space<vmem_shared>> -> memref<10112x128xf32, #tpu.memory_space<vmem_shared>>
      tpu.wait_indirect_dma semaphore(%run_scoped3A_74 : memref<!tpu.dma_semaphore, #tpu.memory_space<semaphore_mem>>) src(%arg10 : memref<128x128xf32, #tpu.memory_space<vmem>>) dst(%dma_wait3A_86 : memref<10112x128xf32, #tpu.memory_space<vmem_shared>>)
      tpu.yield
    }) : () -> ()
    "tpu.region"() ({
      %run_scoped3A_74 = tpu.sem_alloc : memref<!tpu.dma_semaphore, #tpu.memory_space<semaphore_mem>>
      %dma_start3A_75 = arith.constant 40 : i32
      %dma_start3A_76 = arith.constant 0 : i32
      %dma_start3A_77 = tpu.memref_slice %arg3[%add3A, %dma_start3A_75, %dma_start3A_76] : memref<32x80x128xi32, #tpu.memory_space<hbm>> -> memref<1x40x128xi32, #tpu.memory_space<hbm>>
      %dma_start3A_78 = tpu.memref_squeeze %dma_start3A_77 : memref<1x40x128xi32, #tpu.memory_space<hbm>> -> memref<40x128xi32, #tpu.memory_space<hbm>>
      %dma_start3A_79 = arith.constant 40 : i32
      %dma_start3A_80 = arith.constant 0 : i32
      %dma_start3A_81 = tpu.memref_slice %arg3[%add3A, %dma_start3A_79, %dma_start3A_80] : memref<32x80x128xi32, #tpu.memory_space<hbm>> -> memref<1x40x128xi32, #tpu.memory_space<hbm>>
      %dma_start3A_82 = tpu.memref_squeeze %dma_start3A_81 : memref<1x40x128xi32, #tpu.memory_space<hbm>> -> memref<40x128xi32, #tpu.memory_space<hbm>>
      tpu.enqueue_dma source(%dma_start3A_82 : memref<40x128xi32, #tpu.memory_space<hbm>>) target(%arg7 : memref<40x128xi32, #tpu.memory_space<vmem>>) target_semaphore(%run_scoped3A_74 : memref<!tpu.dma_semaphore, #tpu.memory_space<semaphore_mem>>)
      %dma_wait3A_83 = arith.constant 40 : i32
      %dma_wait3A_84 = arith.constant 0 : i32
      %dma_wait3A_85 = tpu.memref_slice %arg3[%add3A, %dma_wait3A_83, %dma_wait3A_84] : memref<32x80x128xi32, #tpu.memory_space<hbm>> -> memref<1x40x128xi32, #tpu.memory_space<hbm>>
      %dma_wait3A_86 = tpu.memref_squeeze %dma_wait3A_85 : memref<1x40x128xi32, #tpu.memory_space<hbm>> -> memref<40x128xi32, #tpu.memory_space<hbm>>
      %dma_wait3A_87 = arith.constant 40 : i32
      %dma_wait3A_88 = arith.constant 0 : i32
      %dma_wait3A_89 = tpu.memref_slice %arg3[%add3A, %dma_wait3A_87, %dma_wait3A_88] : memref<32x80x128xi32, #tpu.memory_space<hbm>> -> memref<1x40x128xi32, #tpu.memory_space<hbm>>
      %dma_wait3A_90 = tpu.memref_squeeze %dma_wait3A_89 : memref<1x40x128xi32, #tpu.memory_space<hbm>> -> memref<40x128xi32, #tpu.memory_space<hbm>>
      tpu.wait_dma2 semaphore(%run_scoped3A_74 : memref<!tpu.dma_semaphore, #tpu.memory_space<semaphore_mem>>) src(%dma_wait3A_90 : memref<40x128xi32, #tpu.memory_space<hbm>>) dst(%arg7 : memref<40x128xi32, #tpu.memory_space<vmem>>)
      tpu.yield
    }) : () -> ()
    "tpu.region"() ({
      %run_scoped3A_74 = tpu.sem_alloc : memref<!tpu.dma_semaphore, #tpu.memory_space<semaphore_mem>>
      %dma_start3A_75 = arith.constant 40 : i32
      %dma_start3A_76 = arith.constant 0 : i32
      %dma_start3A_77 = tpu.memref_slice %arg4[%add3A, %dma_start3A_75, %dma_start3A_76] : memref<32x80x128xi32, #tpu.memory_space<hbm>> -> memref<1x40x128xi32, #tpu.memory_space<hbm>>
      %dma_start3A_78 = tpu.memref_squeeze %dma_start3A_77 : memref<1x40x128xi32, #tpu.memory_space<hbm>> -> memref<40x128xi32, #tpu.memory_space<hbm>>
      %dma_start3A_79 = arith.constant 40 : i32
      %dma_start3A_80 = arith.constant 0 : i32
      %dma_start3A_81 = tpu.memref_slice %arg4[%add3A, %dma_start3A_79, %dma_start3A_80] : memref<32x80x128xi32, #tpu.memory_space<hbm>> -> memref<1x40x128xi32, #tpu.memory_space<hbm>>
      %dma_start3A_82 = tpu.memref_squeeze %dma_start3A_81 : memref<1x40x128xi32, #tpu.memory_space<hbm>> -> memref<40x128xi32, #tpu.memory_space<hbm>>
      tpu.enqueue_dma source(%dma_start3A_82 : memref<40x128xi32, #tpu.memory_space<hbm>>) target(%arg8 : memref<40x128xi32, #tpu.memory_space<vmem>>) target_semaphore(%run_scoped3A_74 : memref<!tpu.dma_semaphore, #tpu.memory_space<semaphore_mem>>)
      %dma_wait3A_83 = arith.constant 40 : i32
      %dma_wait3A_84 = arith.constant 0 : i32
      %dma_wait3A_85 = tpu.memref_slice %arg4[%add3A, %dma_wait3A_83, %dma_wait3A_84] : memref<32x80x128xi32, #tpu.memory_space<hbm>> -> memref<1x40x128xi32, #tpu.memory_space<hbm>>
      %dma_wait3A_86 = tpu.memref_squeeze %dma_wait3A_85 : memref<1x40x128xi32, #tpu.memory_space<hbm>> -> memref<40x128xi32, #tpu.memory_space<hbm>>
      %dma_wait3A_87 = arith.constant 40 : i32
      %dma_wait3A_88 = arith.constant 0 : i32
      %dma_wait3A_89 = tpu.memref_slice %arg4[%add3A, %dma_wait3A_87, %dma_wait3A_88] : memref<32x80x128xi32, #tpu.memory_space<hbm>> -> memref<1x40x128xi32, #tpu.memory_space<hbm>>
      %dma_wait3A_90 = tpu.memref_squeeze %dma_wait3A_89 : memref<1x40x128xi32, #tpu.memory_space<hbm>> -> memref<40x128xi32, #tpu.memory_space<hbm>>
      tpu.wait_dma2 semaphore(%run_scoped3A_74 : memref<!tpu.dma_semaphore, #tpu.memory_space<semaphore_mem>>) src(%dma_wait3A_90 : memref<40x128xi32, #tpu.memory_space<hbm>>) dst(%arg8 : memref<40x128xi32, #tpu.memory_space<vmem>>)
      tpu.yield
    }) : () -> ()
    %dma_start3A_34 = arith.constant 0 : i32
    %dma_start3A_35 = arith.constant 0 : i32
    %dma_start3A_36 = tpu.memref_slice %arg7[%dma_start3A_34, %dma_start3A_35] : memref<40x128xi32, #tpu.memory_space<vmem>> -> memref<1x128xi32, #tpu.memory_space<vmem>>
    %dma_start3A_37 = tpu.memref_squeeze %dma_start3A_36 : memref<1x128xi32, #tpu.memory_space<vmem>> -> memref<128xi32, #tpu.memory_space<vmem>>
    %dma_start3A_38 = arith.constant 0 : i32
    %dma_start3A_39 = arith.constant 0 : i32
    %dma_start3A_40 = tpu.memref_slice %arg2[%dma_start3A_38, %dma_start3A_39] : memref<10112x128xf32, #tpu.memory_space<hbm>> -> memref<10112x128xf32, #tpu.memory_space<hbm>>
    tpu.enqueue_indirect_dma source(%dma_start3A_40 : memref<10112x128xf32, #tpu.memory_space<hbm>>) target(%arg9 : memref<128x128xf32, #tpu.memory_space<vmem>>) offsets(%dma_start3A_37 : memref<128xi32, #tpu.memory_space<vmem>>) semaphore(%arg12 : memref<!tpu.dma_semaphore, #tpu.memory_space<semaphore_mem>>)
    %scan3A_41 = arith.constant 0 : i32
    %scan3A_42 = arith.constant 19 : i32
    %scan3A_43 = arith.addi %scan3A_41, %scan3A_42 : i32
    %scan3A_44 = arith.constant 1 : i32
    scf.for %scan3A_74 = %scan3A_41 to %scan3A_43 step %scan3A_44  : i32 {
      %mul3A_75 = arith.constant 2 : i32
      %mul3A_76 = arith.muli %scan3A_74, %mul3A_75 : i32
      %add3A_77 = arith.constant 0 : i32
      %add3A_78 = arith.addi %add3A_77, %mul3A_76 : i32
      %dma_wait3A_79 = arith.constant 0 : i32
      %dma_wait3A_80 = arith.constant 0 : i32
      %dma_wait3A_81 = tpu.memref_slice %arg7[%dma_wait3A_79, %dma_wait3A_80] : memref<40x128xi32, #tpu.memory_space<vmem>> -> memref<1x128xi32, #tpu.memory_space<vmem>>
      %dma_wait3A_82 = tpu.memref_squeeze %dma_wait3A_81 : memref<1x128xi32, #tpu.memory_space<vmem>> -> memref<128xi32, #tpu.memory_space<vmem>>
      %dma_wait3A_83 = arith.constant 0 : i32
      %dma_wait3A_84 = arith.constant 0 : i32
      %dma_wait3A_85 = tpu.memref_slice %arg2[%dma_wait3A_83, %dma_wait3A_84] : memref<10112x128xf32, #tpu.memory_space<hbm>> -> memref<10112x128xf32, #tpu.memory_space<hbm>>
      tpu.wait_indirect_dma semaphore(%arg12 : memref<!tpu.dma_semaphore, #tpu.memory_space<semaphore_mem>>) src(%dma_wait3A_85 : memref<10112x128xf32, #tpu.memory_space<hbm>>) dst(%arg9 : memref<128x128xf32, #tpu.memory_space<vmem>>)
      %add3A_86 = arith.constant 1 : i32
      %add3A_87 = arith.addi %add3A_78, %add3A_86 : i32
      %dma_start3A_88 = arith.constant 0 : i32
      %dma_start3A_89 = tpu.memref_slice %arg7[%add3A_87, %dma_start3A_88] : memref<40x128xi32, #tpu.memory_space<vmem>> -> memref<1x128xi32, #tpu.memory_space<vmem>>
      %dma_start3A_90 = tpu.memref_squeeze %dma_start3A_89 : memref<1x128xi32, #tpu.memory_space<vmem>> -> memref<128xi32, #tpu.memory_space<vmem>>
      %dma_start3A_91 = arith.constant 0 : i32
      %dma_start3A_92 = arith.constant 0 : i32
      %dma_start3A_93 = tpu.memref_slice %arg2[%dma_start3A_91, %dma_start3A_92] : memref<10112x128xf32, #tpu.memory_space<hbm>> -> memref<10112x128xf32, #tpu.memory_space<hbm>>
      tpu.enqueue_indirect_dma source(%dma_start3A_93 : memref<10112x128xf32, #tpu.memory_space<hbm>>) target(%arg10 : memref<128x128xf32, #tpu.memory_space<vmem>>) offsets(%dma_start3A_90 : memref<128xi32, #tpu.memory_space<vmem>>) semaphore(%arg13 : memref<!tpu.dma_semaphore, #tpu.memory_space<semaphore_mem>>)
      "tpu.region"() ({
        %run_scoped3A_111 = tpu.sem_alloc : memref<!tpu.dma_semaphore, #tpu.memory_space<semaphore_mem>>
        %dma_start3A_112 = arith.constant 0 : i32
        %dma_start3A_113 = tpu.memref_slice %arg8[%add3A_78, %dma_start3A_112] : memref<40x128xi32, #tpu.memory_space<vmem>> -> memref<1x128xi32, #tpu.memory_space<vmem>>
        %dma_start3A_114 = tpu.memref_squeeze %dma_start3A_113 : memref<1x128xi32, #tpu.memory_space<vmem>> -> memref<128xi32, #tpu.memory_space<vmem>>
        %dma_start3A_115 = arith.constant 0 : i32
        %dma_start3A_116 = arith.constant 0 : i32
        %dma_start3A_117 = tpu.memref_slice %arg11[%dma_start3A_115, %dma_start3A_116] : memref<10112x128xf32, #tpu.memory_space<vmem_shared>> -> memref<10112x128xf32, #tpu.memory_space<vmem_shared>>
        tpu.enqueue_indirect_dma source(%arg9 : memref<128x128xf32, #tpu.memory_space<vmem>>) target(%dma_start3A_117 : memref<10112x128xf32, #tpu.memory_space<vmem_shared>>) offsets(%dma_start3A_114 : memref<128xi32, #tpu.memory_space<vmem>>) semaphore(%run_scoped3A_111 : memref<!tpu.dma_semaphore, #tpu.memory_space<semaphore_mem>>) {add = true}
        %dma_wait3A_118 = arith.constant 0 : i32
        %dma_wait3A_119 = tpu.memref_slice %arg8[%add3A_78, %dma_wait3A_118] : memref<40x128xi32, #tpu.memory_space<vmem>> -> memref<1x128xi32, #tpu.memory_space<vmem>>
        %dma_wait3A_120 = tpu.memref_squeeze %dma_wait3A_119 : memref<1x128xi32, #tpu.memory_space<vmem>> -> memref<128xi32, #tpu.memory_space<vmem>>
        %dma_wait3A_121 = arith.constant 0 : i32
        %dma_wait3A_122 = arith.constant 0 : i32
        %dma_wait3A_123 = tpu.memref_slice %arg11[%dma_wait3A_121, %dma_wait3A_122] : memref<10112x128xf32, #tpu.memory_space<vmem_shared>> -> memref<10112x128xf32, #tpu.memory_space<vmem_shared>>
        tpu.wait_indirect_dma semaphore(%run_scoped3A_111 : memref<!tpu.dma_semaphore, #tpu.memory_space<semaphore_mem>>) src(%arg9 : memref<128x128xf32, #tpu.memory_space<vmem>>) dst(%dma_wait3A_123 : memref<10112x128xf32, #tpu.memory_space<vmem_shared>>)
        tpu.yield
      }) : () -> ()
      %dma_wait3A_94 = arith.constant 0 : i32
      %dma_wait3A_95 = arith.constant 0 : i32
      %dma_wait3A_96 = tpu.memref_slice %arg7[%dma_wait3A_94, %dma_wait3A_95] : memref<40x128xi32, #tpu.memory_space<vmem>> -> memref<1x128xi32, #tpu.memory_space<vmem>>
      %dma_wait3A_97 = tpu.memref_squeeze %dma_wait3A_96 : memref<1x128xi32, #tpu.memory_space<vmem>> -> memref<128xi32, #tpu.memory_space<vmem>>
      %dma_wait3A_98 = arith.constant 0 : i32
      %dma_wait3A_99 = arith.constant 0 : i32
      %dma_wait3A_100 = tpu.memref_slice %arg2[%dma_wait3A_98, %dma_wait3A_99] : memref<10112x128xf32, #tpu.memory_space<hbm>> -> memref<10112x128xf32, #tpu.memory_space<hbm>>
      tpu.wait_indirect_dma semaphore(%arg13 : memref<!tpu.dma_semaphore, #tpu.memory_space<semaphore_mem>>) src(%dma_wait3A_100 : memref<10112x128xf32, #tpu.memory_space<hbm>>) dst(%arg10 : memref<128x128xf32, #tpu.memory_space<vmem>>)
      %add3A_101 = arith.constant 2 : i32
      %add3A_102 = arith.addi %add3A_78, %add3A_101 : i32
      %dma_start3A_103 = arith.constant 0 : i32
      %dma_start3A_104 = tpu.memref_slice %arg7[%add3A_102, %dma_start3A_103] : memref<40x128xi32, #tpu.memory_space<vmem>> -> memref<1x128xi32, #tpu.memory_space<vmem>>
      %dma_start3A_105 = tpu.memref_squeeze %dma_start3A_104 : memref<1x128xi32, #tpu.memory_space<vmem>> -> memref<128xi32, #tpu.memory_space<vmem>>
      %dma_start3A_106 = arith.constant 0 : i32
      %dma_start3A_107 = arith.constant 0 : i32
      %dma_start3A_108 = tpu.memref_slice %arg2[%dma_start3A_106, %dma_start3A_107] : memref<10112x128xf32, #tpu.memory_space<hbm>> -> memref<10112x128xf32, #tpu.memory_space<hbm>>
      tpu.enqueue_indirect_dma source(%dma_start3A_108 : memref<10112x128xf32, #tpu.memory_space<hbm>>) target(%arg9 : memref<128x128xf32, #tpu.memory_space<vmem>>) offsets(%dma_start3A_105 : memref<128xi32, #tpu.memory_space<vmem>>) semaphore(%arg12 : memref<!tpu.dma_semaphore, #tpu.memory_space<semaphore_mem>>)
      %add3A_109 = arith.constant 1 : i32
      %add3A_110 = arith.addi %add3A_78, %add3A_109 : i32
      "tpu.region"() ({
        %run_scoped3A_111 = tpu.sem_alloc : memref<!tpu.dma_semaphore, #tpu.memory_space<semaphore_mem>>
        %dma_start3A_112 = arith.constant 0 : i32
        %dma_start3A_113 = tpu.memref_slice %arg8[%add3A_110, %dma_start3A_112] : memref<40x128xi32, #tpu.memory_space<vmem>> -> memref<1x128xi32, #tpu.memory_space<vmem>>
        %dma_start3A_114 = tpu.memref_squeeze %dma_start3A_113 : memref<1x128xi32, #tpu.memory_space<vmem>> -> memref<128xi32, #tpu.memory_space<vmem>>
        %dma_start3A_115 = arith.constant 0 : i32
        %dma_start3A_116 = arith.constant 0 : i32
        %dma_start3A_117 = tpu.memref_slice %arg11[%dma_start3A_115, %dma_start3A_116] : memref<10112x128xf32, #tpu.memory_space<vmem_shared>> -> memref<10112x128xf32, #tpu.memory_space<vmem_shared>>
        tpu.enqueue_indirect_dma source(%arg10 : memref<128x128xf32, #tpu.memory_space<vmem>>) target(%dma_start3A_117 : memref<10112x128xf32, #tpu.memory_space<vmem_shared>>) offsets(%dma_start3A_114 : memref<128xi32, #tpu.memory_space<vmem>>) semaphore(%run_scoped3A_111 : memref<!tpu.dma_semaphore, #tpu.memory_space<semaphore_mem>>) {add = true}
        %dma_wait3A_118 = arith.constant 0 : i32
        %dma_wait3A_119 = tpu.memref_slice %arg8[%add3A_110, %dma_wait3A_118] : memref<40x128xi32, #tpu.memory_space<vmem>> -> memref<1x128xi32, #tpu.memory_space<vmem>>
        %dma_wait3A_120 = tpu.memref_squeeze %dma_wait3A_119 : memref<1x128xi32, #tpu.memory_space<vmem>> -> memref<128xi32, #tpu.memory_space<vmem>>
        %dma_wait3A_121 = arith.constant 0 : i32
        %dma_wait3A_122 = arith.constant 0 : i32
        %dma_wait3A_123 = tpu.memref_slice %arg11[%dma_wait3A_121, %dma_wait3A_122] : memref<10112x128xf32, #tpu.memory_space<vmem_shared>> -> memref<10112x128xf32, #tpu.memory_space<vmem_shared>>
        tpu.wait_indirect_dma semaphore(%run_scoped3A_111 : memref<!tpu.dma_semaphore, #tpu.memory_space<semaphore_mem>>) src(%arg10 : memref<128x128xf32, #tpu.memory_space<vmem>>) dst(%dma_wait3A_123 : memref<10112x128xf32, #tpu.memory_space<vmem_shared>>)
        tpu.yield
      }) : () -> ()
    }
    %scan3A_45 = arith.constant 19 : i32
    %dma_wait3A_46 = arith.constant 0 : i32
    %dma_wait3A_47 = arith.constant 0 : i32
    %dma_wait3A_48 = tpu.memref_slice %arg7[%dma_wait3A_46, %dma_wait3A_47] : memref<40x128xi32, #tpu.memory_space<vmem>> -> memref<1x128xi32, #tpu.memory_space<vmem>>
    %dma_wait3A_49 = tpu.memref_squeeze %dma_wait3A_48 : memref<1x128xi32, #tpu.memory_space<vmem>> -> memref<128xi32, #tpu.memory_space<vmem>>
    %dma_wait3A_50 = arith.constant 0 : i32
    %dma_wait3A_51 = arith.constant 0 : i32
    %dma_wait3A_52 = tpu.memref_slice %arg2[%dma_wait3A_50, %dma_wait3A_51] : memref<10112x128xf32, #tpu.memory_space<hbm>> -> memref<10112x128xf32, #tpu.memory_space<hbm>>
    tpu.wait_indirect_dma semaphore(%arg12 : memref<!tpu.dma_semaphore, #tpu.memory_space<semaphore_mem>>) src(%dma_wait3A_52 : memref<10112x128xf32, #tpu.memory_space<hbm>>) dst(%arg9 : memref<128x128xf32, #tpu.memory_space<vmem>>)
    %dma_start3A_53 = arith.constant 39 : i32
    %dma_start3A_54 = arith.constant 0 : i32
    %dma_start3A_55 = tpu.memref_slice %arg7[%dma_start3A_53, %dma_start3A_54] : memref<40x128xi32, #tpu.memory_space<vmem>> -> memref<1x128xi32, #tpu.memory_space<vmem>>
    %dma_start3A_56 = tpu.memref_squeeze %dma_start3A_55 : memref<1x128xi32, #tpu.memory_space<vmem>> -> memref<128xi32, #tpu.memory_space<vmem>>
    %dma_start3A_57 = arith.constant 0 : i32
    %dma_start3A_58 = arith.constant 0 : i32
    %dma_start3A_59 = tpu.memref_slice %arg2[%dma_start3A_57, %dma_start3A_58] : memref<10112x128xf32, #tpu.memory_space<hbm>> -> memref<10112x128xf32, #tpu.memory_space<hbm>>
    tpu.enqueue_indirect_dma source(%dma_start3A_59 : memref<10112x128xf32, #tpu.memory_space<hbm>>) target(%arg10 : memref<128x128xf32, #tpu.memory_space<vmem>>) offsets(%dma_start3A_56 : memref<128xi32, #tpu.memory_space<vmem>>) semaphore(%arg13 : memref<!tpu.dma_semaphore, #tpu.memory_space<semaphore_mem>>)
    %run_scoped3A_60 = arith.constant 38 : i32
    "tpu.region"() ({
      %run_scoped3A_74 = tpu.sem_alloc : memref<!tpu.dma_semaphore, #tpu.memory_space<semaphore_mem>>
      %dma_start3A_75 = arith.constant 0 : i32
      %dma_start3A_76 = tpu.memref_slice %arg8[%run_scoped3A_60, %dma_start3A_75] : memref<40x128xi32, #tpu.memory_space<vmem>> -> memref<1x128xi32, #tpu.memory_space<vmem>>
      %dma_start3A_77 = tpu.memref_squeeze %dma_start3A_76 : memref<1x128xi32, #tpu.memory_space<vmem>> -> memref<128xi32, #tpu.memory_space<vmem>>
      %dma_start3A_78 = arith.constant 0 : i32
      %dma_start3A_79 = arith.constant 0 : i32
      %dma_start3A_80 = tpu.memref_slice %arg11[%dma_start3A_78, %dma_start3A_79] : memref<10112x128xf32, #tpu.memory_space<vmem_shared>> -> memref<10112x128xf32, #tpu.memory_space<vmem_shared>>
      tpu.enqueue_indirect_dma source(%arg9 : memref<128x128xf32, #tpu.memory_space<vmem>>) target(%dma_start3A_80 : memref<10112x128xf32, #tpu.memory_space<vmem_shared>>) offsets(%dma_start3A_77 : memref<128xi32, #tpu.memory_space<vmem>>) semaphore(%run_scoped3A_74 : memref<!tpu.dma_semaphore, #tpu.memory_space<semaphore_mem>>) {add = true}
      %dma_wait3A_81 = arith.constant 0 : i32
      %dma_wait3A_82 = tpu.memref_slice %arg8[%run_scoped3A_60, %dma_wait3A_81] : memref<40x128xi32, #tpu.memory_space<vmem>> -> memref<1x128xi32, #tpu.memory_space<vmem>>
      %dma_wait3A_83 = tpu.memref_squeeze %dma_wait3A_82 : memref<1x128xi32, #tpu.memory_space<vmem>> -> memref<128xi32, #tpu.memory_space<vmem>>
      %dma_wait3A_84 = arith.constant 0 : i32
      %dma_wait3A_85 = arith.constant 0 : i32
      %dma_wait3A_86 = tpu.memref_slice %arg11[%dma_wait3A_84, %dma_wait3A_85] : memref<10112x128xf32, #tpu.memory_space<vmem_shared>> -> memref<10112x128xf32, #tpu.memory_space<vmem_shared>>
      tpu.wait_indirect_dma semaphore(%run_scoped3A_74 : memref<!tpu.dma_semaphore, #tpu.memory_space<semaphore_mem>>) src(%arg9 : memref<128x128xf32, #tpu.memory_space<vmem>>) dst(%dma_wait3A_86 : memref<10112x128xf32, #tpu.memory_space<vmem_shared>>)
      tpu.yield
    }) : () -> ()
    %dma_wait3A_61 = arith.constant 0 : i32
    %dma_wait3A_62 = arith.constant 0 : i32
    %dma_wait3A_63 = tpu.memref_slice %arg7[%dma_wait3A_61, %dma_wait3A_62] : memref<40x128xi32, #tpu.memory_space<vmem>> -> memref<1x128xi32, #tpu.memory_space<vmem>>
    %dma_wait3A_64 = tpu.memref_squeeze %dma_wait3A_63 : memref<1x128xi32, #tpu.memory_space<vmem>> -> memref<128xi32, #tpu.memory_space<vmem>>
    %dma_wait3A_65 = arith.constant 0 : i32
    %dma_wait3A_66 = arith.constant 0 : i32
    %dma_wait3A_67 = tpu.memref_slice %arg2[%dma_wait3A_65, %dma_wait3A_66] : memref<10112x128xf32, #tpu.memory_space<hbm>> -> memref<10112x128xf32, #tpu.memory_space<hbm>>
    tpu.wait_indirect_dma semaphore(%arg13 : memref<!tpu.dma_semaphore, #tpu.memory_space<semaphore_mem>>) src(%dma_wait3A_67 : memref<10112x128xf32, #tpu.memory_space<hbm>>) dst(%arg10 : memref<128x128xf32, #tpu.memory_space<vmem>>)
    %run_scoped3A_68 = arith.constant 39 : i32
    "tpu.region"() ({
      %run_scoped3A_74 = tpu.sem_alloc : memref<!tpu.dma_semaphore, #tpu.memory_space<semaphore_mem>>
      %dma_start3A_75 = arith.constant 0 : i32
      %dma_start3A_76 = tpu.memref_slice %arg8[%run_scoped3A_68, %dma_start3A_75] : memref<40x128xi32, #tpu.memory_space<vmem>> -> memref<1x128xi32, #tpu.memory_space<vmem>>
      %dma_start3A_77 = tpu.memref_squeeze %dma_start3A_76 : memref<1x128xi32, #tpu.memory_space<vmem>> -> memref<128xi32, #tpu.memory_space<vmem>>
      %dma_start3A_78 = arith.constant 0 : i32
      %dma_start3A_79 = arith.constant 0 : i32
      %dma_start3A_80 = tpu.memref_slice %arg11[%dma_start3A_78, %dma_start3A_79] : memref<10112x128xf32, #tpu.memory_space<vmem_shared>> -> memref<10112x128xf32, #tpu.memory_space<vmem_shared>>
      tpu.enqueue_indirect_dma source(%arg10 : memref<128x128xf32, #tpu.memory_space<vmem>>) target(%dma_start3A_80 : memref<10112x128xf32, #tpu.memory_space<vmem_shared>>) offsets(%dma_start3A_77 : memref<128xi32, #tpu.memory_space<vmem>>) semaphore(%run_scoped3A_74 : memref<!tpu.dma_semaphore, #tpu.memory_space<semaphore_mem>>) {add = true}
      %dma_wait3A_81 = arith.constant 0 : i32
      %dma_wait3A_82 = tpu.memref_slice %arg8[%run_scoped3A_68, %dma_wait3A_81] : memref<40x128xi32, #tpu.memory_space<vmem>> -> memref<1x128xi32, #tpu.memory_space<vmem>>
      %dma_wait3A_83 = tpu.memref_squeeze %dma_wait3A_82 : memref<1x128xi32, #tpu.memory_space<vmem>> -> memref<128xi32, #tpu.memory_space<vmem>>
      %dma_wait3A_84 = arith.constant 0 : i32
      %dma_wait3A_85 = arith.constant 0 : i32
      %dma_wait3A_86 = tpu.memref_slice %arg11[%dma_wait3A_84, %dma_wait3A_85] : memref<10112x128xf32, #tpu.memory_space<vmem_shared>> -> memref<10112x128xf32, #tpu.memory_space<vmem_shared>>
      tpu.wait_indirect_dma semaphore(%run_scoped3A_74 : memref<!tpu.dma_semaphore, #tpu.memory_space<semaphore_mem>>) src(%arg10 : memref<128x128xf32, #tpu.memory_space<vmem>>) dst(%dma_wait3A_86 : memref<10112x128xf32, #tpu.memory_space<vmem_shared>>)
      tpu.yield
    }) : () -> ()
    %barrier3A_69 = arith.constant 0 : index
    tpu.barrier barrier_id(%barrier3A_69)
    %mul3A_70 = arith.constant 632 : i32
    %mul3A_71 = arith.muli %arg1, %mul3A_70 : i32
    %mul3A_72 = arith.constant 632 : i32
    %mul3A_73 = arith.muli %arg1, %mul3A_72 : i32
    "tpu.region"() ({
      %run_scoped3A_74 = tpu.sem_alloc : memref<!tpu.dma_semaphore, #tpu.memory_space<semaphore_mem>>
      %dma_start3A_75 = arith.constant 0 : i32
      %dma_start3A_76 = tpu.memref_slice %arg6[%arg0, %mul3A_73, %dma_start3A_75] : memref<2x10112x128xf32, #tpu.memory_space<hbm>> -> memref<1x632x128xf32, #tpu.memory_space<hbm>>
      %dma_start3A_77 = tpu.memref_squeeze %dma_start3A_76 : memref<1x632x128xf32, #tpu.memory_space<hbm>> -> memref<632x128xf32, #tpu.memory_space<hbm>>
      %dma_start3A_78 = arith.constant 0 : i32
      %dma_start3A_79 = tpu.memref_slice %arg11[%mul3A_71, %dma_start3A_78] : memref<10112x128xf32, #tpu.memory_space<vmem_shared>> -> memref<632x128xf32, #tpu.memory_space<vmem_shared>>
      tpu.enqueue_dma source(%dma_start3A_79 : memref<632x128xf32, #tpu.memory_space<vmem_shared>>) target(%dma_start3A_77 : memref<632x128xf32, #tpu.memory_space<hbm>>) target_semaphore(%run_scoped3A_74 : memref<!tpu.dma_semaphore, #tpu.memory_space<semaphore_mem>>)
      %dma_wait3A_80 = arith.constant 0 : i32
      %dma_wait3A_81 = tpu.memref_slice %arg6[%arg0, %mul3A_73, %dma_wait3A_80] : memref<2x10112x128xf32, #tpu.memory_space<hbm>> -> memref<1x632x128xf32, #tpu.memory_space<hbm>>
      %dma_wait3A_82 = tpu.memref_squeeze %dma_wait3A_81 : memref<1x632x128xf32, #tpu.memory_space<hbm>> -> memref<632x128xf32, #tpu.memory_space<hbm>>
      %dma_wait3A_83 = arith.constant 0 : i32
      %dma_wait3A_84 = tpu.memref_slice %arg11[%mul3A_71, %dma_wait3A_83] : memref<10112x128xf32, #tpu.memory_space<vmem_shared>> -> memref<632x128xf32, #tpu.memory_space<vmem_shared>>
      tpu.wait_dma2 semaphore(%run_scoped3A_74 : memref<!tpu.dma_semaphore, #tpu.memory_space<semaphore_mem>>) src(%dma_wait3A_84 : memref<632x128xf32, #tpu.memory_space<vmem_shared>>) dst(%dma_wait3A_82 : memref<632x128xf32, #tpu.memory_space<hbm>>)
      tpu.yield
    }) : () -> ()
    return
  }
}

#map = affine_map<(d0, d1) -> (0, 0)>
#map1 = affine_map<(d0, d1) -> (0, 0, 0)>
module attributes {stable_mosaic.version = 14 : i64} {
  func.func @k(%arg0: i32, %arg1: i32, %arg2: memref<10112x128xf32, #tpu.memory_space<hbm>>, %arg3: memref<32x80x128xi32, #tpu.memory_space<hbm>>, %arg4: memref<32x80x128xi32, #tpu.memory_space<hbm>>, %arg5: memref<632x128xf32, #tpu.memory_space<hbm>>, %arg6: memref<2x10112x128xf32, #tpu.memory_space<hbm>>, %arg7: memref<40x128xi32, #tpu.memory_space<vmem>>, %arg8: memref<40x128xi32, #tpu.memory_space<vmem>>, %arg9: memref<128x128xf32, #tpu.memory_space<vmem>>, %arg10: memref<128x128xf32, #tpu.memory_space<vmem>>, %arg11: memref<10112x128xf32, #tpu.memory_space<vmem_shared>>, %arg12: memref<!tpu.dma_semaphore, #tpu.memory_space<semaphore_mem>>, %arg13: memref<!tpu.dma_semaphore, #tpu.memory_space<semaphore_mem>>) attributes {dimension_semantics = [#tpu.dimension_semantics<core_parallel>, #tpu.dimension_semantics<subcore_parallel>], iteration_bounds = array<i64: 2, 16>, scalar_prefetch = 0 : i64, scratch_operands = 7 : i64, tpu.core_type = #tpu.core_type<sc_vector_subcore>, window_params = [{transform_indices = #map}, {transform_indices = #map1}, {transform_indices = #map1}, {transform_indices = #map}, {transform_indices = #map1}]} {
    %mul3A = arith.constant 16 : i32
    %mul3A_0 = arith.muli %arg0, %mul3A : i32
    %add3A = arith.addi %mul3A_0, %arg1 : i32
    %mul3A_1 = arith.constant 632 : i32
    %mul3A_2 = arith.muli %arg1, %mul3A_1 : i32
    "tpu.region"() ({
      %run_scoped3A_74 = tpu.sem_alloc : memref<!tpu.dma_semaphore, #tpu.memory_space<semaphore_mem>>
      %dma_start3A_75 = arith.constant 0 : i32
      %dma_start3A_76 = tpu.memref_slice %arg11[%mul3A_2, %dma_start3A_75] : memref<10112x128xf32, #tpu.memory_space<vmem_shared>> -> memref<632x128xf32, #tpu.memory_space<vmem_shared>>
      tpu.enqueue_dma source(%arg5 : memref<632x128xf32, #tpu.memory_space<hbm>>) target(%dma_start3A_76 : memref<632x128xf32, #tpu.memory_space<vmem_shared>>) target_semaphore(%run_scoped3A_74 : memref<!tpu.dma_semaphore, #tpu.memory_space<semaphore_mem>>)
      %dma_wait3A_77 = arith.constant 0 : i32
      %dma_wait3A_78 = tpu.memref_slice %arg11[%mul3A_2, %dma_wait3A_77] : memref<10112x128xf32, #tpu.memory_space<vmem_shared>> -> memref<632x128xf32, #tpu.memory_space<vmem_shared>>
      tpu.wait_dma2 semaphore(%run_scoped3A_74 : memref<!tpu.dma_semaphore, #tpu.memory_space<semaphore_mem>>) src(%arg5 : memref<632x128xf32, #tpu.memory_space<hbm>>) dst(%dma_wait3A_78 : memref<632x128xf32, #tpu.memory_space<vmem_shared>>)
      tpu.yield
    }) : () -> ()
    %barrier3A = arith.constant 0 : index
    tpu.barrier barrier_id(%barrier3A)
    "tpu.region"() ({
      %run_scoped3A_74 = tpu.sem_alloc : memref<!tpu.dma_semaphore, #tpu.memory_space<semaphore_mem>>
      %dma_start3A_75 = arith.constant 0 : i32
      %dma_start3A_76 = arith.constant 0 : i32
      %dma_start3A_77 = tpu.memref_slice %arg3[%add3A, %dma_start3A_75, %dma_start3A_76] : memref<32x80x128xi32, #tpu.memory_space<hbm>> -> memref<1x40x128xi32, #tpu.memory_space<hbm>>
      %dma_start3A_78 = tpu.memref_squeeze %dma_start3A_77 : memref<1x40x128xi32, #tpu.memory_space<hbm>> -> memref<40x128xi32, #tpu.memory_space<hbm>>
      %dma_start3A_79 = arith.constant 0 : i32
      %dma_start3A_80 = arith.constant 0 : i32
      %dma_start3A_81 = tpu.memref_slice %arg3[%add3A, %dma_start3A_79, %dma_start3A_80] : memref<32x80x128xi32, #tpu.memory_space<hbm>> -> memref<1x40x128xi32, #tpu.memory_space<hbm>>
      %dma_start3A_82 = tpu.memref_squeeze %dma_start3A_81 : memref<1x40x128xi32, #tpu.memory_space<hbm>> -> memref<40x128xi32, #tpu.memory_space<hbm>>
      tpu.enqueue_dma source(%dma_start3A_82 : memref<40x128xi32, #tpu.memory_space<hbm>>) target(%arg7 : memref<40x128xi32, #tpu.memory_space<vmem>>) target_semaphore(%run_scoped3A_74 : memref<!tpu.dma_semaphore, #tpu.memory_space<semaphore_mem>>)
      %dma_wait3A_83 = arith.constant 0 : i32
      %dma_wait3A_84 = arith.constant 0 : i32
      %dma_wait3A_85 = tpu.memref_slice %arg3[%add3A, %dma_wait3A_83, %dma_wait3A_84] : memref<32x80x128xi32, #tpu.memory_space<hbm>> -> memref<1x40x128xi32, #tpu.memory_space<hbm>>
      %dma_wait3A_86 = tpu.memref_squeeze %dma_wait3A_85 : memref<1x40x128xi32, #tpu.memory_space<hbm>> -> memref<40x128xi32, #tpu.memory_space<hbm>>
      %dma_wait3A_87 = arith.constant 0 : i32
      %dma_wait3A_88 = arith.constant 0 : i32
      %dma_wait3A_89 = tpu.memref_slice %arg3[%add3A, %dma_wait3A_87, %dma_wait3A_88] : memref<32x80x128xi32, #tpu.memory_space<hbm>> -> memref<1x40x128xi32, #tpu.memory_space<hbm>>
      %dma_wait3A_90 = tpu.memref_squeeze %dma_wait3A_89 : memref<1x40x128xi32, #tpu.memory_space<hbm>> -> memref<40x128xi32, #tpu.memory_space<hbm>>
      tpu.wait_dma2 semaphore(%run_scoped3A_74 : memref<!tpu.dma_semaphore, #tpu.memory_space<semaphore_mem>>) src(%dma_wait3A_90 : memref<40x128xi32, #tpu.memory_space<hbm>>) dst(%arg7 : memref<40x128xi32, #tpu.memory_space<vmem>>)
      tpu.yield
    }) : () -> ()
    "tpu.region"() ({
      %run_scoped3A_74 = tpu.sem_alloc : memref<!tpu.dma_semaphore, #tpu.memory_space<semaphore_mem>>
      %dma_start3A_75 = arith.constant 0 : i32
      %dma_start3A_76 = arith.constant 0 : i32
      %dma_start3A_77 = tpu.memref_slice %arg4[%add3A, %dma_start3A_75, %dma_start3A_76] : memref<32x80x128xi32, #tpu.memory_space<hbm>> -> memref<1x40x128xi32, #tpu.memory_space<hbm>>
      %dma_start3A_78 = tpu.memref_squeeze %dma_start3A_77 : memref<1x40x128xi32, #tpu.memory_space<hbm>> -> memref<40x128xi32, #tpu.memory_space<hbm>>
      %dma_start3A_79 = arith.constant 0 : i32
      %dma_start3A_80 = arith.constant 0 : i32
      %dma_start3A_81 = tpu.memref_slice %arg4[%add3A, %dma_start3A_79, %dma_start3A_80] : memref<32x80x128xi32, #tpu.memory_space<hbm>> -> memref<1x40x128xi32, #tpu.memory_space<hbm>>
      %dma_start3A_82 = tpu.memref_squeeze %dma_start3A_81 : memref<1x40x128xi32, #tpu.memory_space<hbm>> -> memref<40x128xi32, #tpu.memory_space<hbm>>
      tpu.enqueue_dma source(%dma_start3A_82 : memref<40x128xi32, #tpu.memory_space<hbm>>) target(%arg8 : memref<40x128xi32, #tpu.memory_space<vmem>>) target_semaphore(%run_scoped3A_74 : memref<!tpu.dma_semaphore, #tpu.memory_space<semaphore_mem>>)
      %dma_wait3A_83 = arith.constant 0 : i32
      %dma_wait3A_84 = arith.constant 0 : i32
      %dma_wait3A_85 = tpu.memref_slice %arg4[%add3A, %dma_wait3A_83, %dma_wait3A_84] : memref<32x80x128xi32, #tpu.memory_space<hbm>> -> memref<1x40x128xi32, #tpu.memory_space<hbm>>
      %dma_wait3A_86 = tpu.memref_squeeze %dma_wait3A_85 : memref<1x40x128xi32, #tpu.memory_space<hbm>> -> memref<40x128xi32, #tpu.memory_space<hbm>>
      %dma_wait3A_87 = arith.constant 0 : i32
      %dma_wait3A_88 = arith.constant 0 : i32
      %dma_wait3A_89 = tpu.memref_slice %arg4[%add3A, %dma_wait3A_87, %dma_wait3A_88] : memref<32x80x128xi32, #tpu.memory_space<hbm>> -> memref<1x40x128xi32, #tpu.memory_space<hbm>>
      %dma_wait3A_90 = tpu.memref_squeeze %dma_wait3A_89 : memref<1x40x128xi32, #tpu.memory_space<hbm>> -> memref<40x128xi32, #tpu.memory_space<hbm>>
      tpu.wait_dma2 semaphore(%run_scoped3A_74 : memref<!tpu.dma_semaphore, #tpu.memory_space<semaphore_mem>>) src(%dma_wait3A_90 : memref<40x128xi32, #tpu.memory_space<hbm>>) dst(%arg8 : memref<40x128xi32, #tpu.memory_space<vmem>>)
      tpu.yield
    }) : () -> ()
    %dma_start3A = arith.constant 0 : i32
    %dma_start3A_3 = arith.constant 0 : i32
    %dma_start3A_4 = tpu.memref_slice %arg7[%dma_start3A, %dma_start3A_3] : memref<40x128xi32, #tpu.memory_space<vmem>> -> memref<1x128xi32, #tpu.memory_space<vmem>>
    %dma_start3A_5 = tpu.memref_squeeze %dma_start3A_4 : memref<1x128xi32, #tpu.memory_space<vmem>> -> memref<128xi32, #tpu.memory_space<vmem>>
    %dma_start3A_6 = arith.constant 0 : i32
    %dma_start3A_7 = arith.constant 0 : i32
    %dma_start3A_8 = tpu.memref_slice %arg2[%dma_start3A_6, %dma_start3A_7] : memref<10112x128xf32, #tpu.memory_space<hbm>> -> memref<10112x128xf32, #tpu.memory_space<hbm>>
    tpu.enqueue_indirect_dma source(%dma_start3A_8 : memref<10112x128xf32, #tpu.memory_space<hbm>>) target(%arg9 : memref<128x128xf32, #tpu.memory_space<vmem>>) offsets(%dma_start3A_5 : memref<128xi32, #tpu.memory_space<vmem>>) semaphore(%arg12 : memref<!tpu.dma_semaphore, #tpu.memory_space<semaphore_mem>>)
    %scan3A = arith.constant 0 : i32
    %scan3A_9 = arith.constant 19 : i32
    %scan3A_10 = arith.addi %scan3A, %scan3A_9 : i32
    %scan3A_11 = arith.constant 1 : i32
    scf.for %scan3A_74 = %scan3A to %scan3A_10 step %scan3A_11  : i32 {
      %mul3A_75 = arith.constant 2 : i32
      %mul3A_76 = arith.muli %scan3A_74, %mul3A_75 : i32
      %add3A_77 = arith.constant 0 : i32
      %add3A_78 = arith.addi %add3A_77, %mul3A_76 : i32
      %dma_wait3A_79 = arith.constant 0 : i32
      %dma_wait3A_80 = arith.constant 0 : i32
      %dma_wait3A_81 = tpu.memref_slice %arg7[%dma_wait3A_79, %dma_wait3A_80] : memref<40x128xi32, #tpu.memory_space<vmem>> -> memref<1x128xi32, #tpu.memory_space<vmem>>
      %dma_wait3A_82 = tpu.memref_squeeze %dma_wait3A_81 : memref<1x128xi32, #tpu.memory_space<vmem>> -> memref<128xi32, #tpu.memory_space<vmem>>
      %dma_wait3A_83 = arith.constant 0 : i32
      %dma_wait3A_84 = arith.constant 0 : i32
      %dma_wait3A_85 = tpu.memref_slice %arg2[%dma_wait3A_83, %dma_wait3A_84] : memref<10112x128xf32, #tpu.memory_space<hbm>> -> memref<10112x128xf32, #tpu.memory_space<hbm>>
      tpu.wait_indirect_dma semaphore(%arg12 : memref<!tpu.dma_semaphore, #tpu.memory_space<semaphore_mem>>) src(%dma_wait3A_85 : memref<10112x128xf32, #tpu.memory_space<hbm>>) dst(%arg9 : memref<128x128xf32, #tpu.memory_space<vmem>>)
      %add3A_86 = arith.constant 1 : i32
      %add3A_87 = arith.addi %add3A_78, %add3A_86 : i32
      %dma_start3A_88 = arith.constant 0 : i32
      %dma_start3A_89 = tpu.memref_slice %arg7[%add3A_87, %dma_start3A_88] : memref<40x128xi32, #tpu.memory_space<vmem>> -> memref<1x128xi32, #tpu.memory_space<vmem>>
      %dma_start3A_90 = tpu.memref_squeeze %dma_start3A_89 : memref<1x128xi32, #tpu.memory_space<vmem>> -> memref<128xi32, #tpu.memory_space<vmem>>
      %dma_start3A_91 = arith.constant 0 : i32
      %dma_start3A_92 = arith.constant 0 : i32
      %dma_start3A_93 = tpu.memref_slice %arg2[%dma_start3A_91, %dma_start3A_92] : memref<10112x128xf32, #tpu.memory_space<hbm>> -> memref<10112x128xf32, #tpu.memory_space<hbm>>
      tpu.enqueue_indirect_dma source(%dma_start3A_93 : memref<10112x128xf32, #tpu.memory_space<hbm>>) target(%arg10 : memref<128x128xf32, #tpu.memory_space<vmem>>) offsets(%dma_start3A_90 : memref<128xi32, #tpu.memory_space<vmem>>) semaphore(%arg13 : memref<!tpu.dma_semaphore, #tpu.memory_space<semaphore_mem>>)
      "tpu.region"() ({
        %run_scoped3A_111 = tpu.sem_alloc : memref<!tpu.dma_semaphore, #tpu.memory_space<semaphore_mem>>
        %dma_start3A_112 = arith.constant 0 : i32
        %dma_start3A_113 = tpu.memref_slice %arg8[%add3A_78, %dma_start3A_112] : memref<40x128xi32, #tpu.memory_space<vmem>> -> memref<1x128xi32, #tpu.memory_space<vmem>>
        %dma_start3A_114 = tpu.memref_squeeze %dma_start3A_113 : memref<1x128xi32, #tpu.memory_space<vmem>> -> memref<128xi32, #tpu.memory_space<vmem>>
        %dma_start3A_115 = arith.constant 0 : i32
        %dma_start3A_116 = arith.constant 0 : i32
        %dma_start3A_117 = tpu.memref_slice %arg11[%dma_start3A_115, %dma_start3A_116] : memref<10112x128xf32, #tpu.memory_space<vmem_shared>> -> memref<10112x128xf32, #tpu.memory_space<vmem_shared>>
        tpu.enqueue_indirect_dma source(%arg9 : memref<128x128xf32, #tpu.memory_space<vmem>>) target(%dma_start3A_117 : memref<10112x128xf32, #tpu.memory_space<vmem_shared>>) offsets(%dma_start3A_114 : memref<128xi32, #tpu.memory_space<vmem>>) semaphore(%run_scoped3A_111 : memref<!tpu.dma_semaphore, #tpu.memory_space<semaphore_mem>>) {add = true}
        %dma_wait3A_118 = arith.constant 0 : i32
        %dma_wait3A_119 = tpu.memref_slice %arg8[%add3A_78, %dma_wait3A_118] : memref<40x128xi32, #tpu.memory_space<vmem>> -> memref<1x128xi32, #tpu.memory_space<vmem>>
        %dma_wait3A_120 = tpu.memref_squeeze %dma_wait3A_119 : memref<1x128xi32, #tpu.memory_space<vmem>> -> memref<128xi32, #tpu.memory_space<vmem>>
        %dma_wait3A_121 = arith.constant 0 : i32
        %dma_wait3A_122 = arith.constant 0 : i32
        %dma_wait3A_123 = tpu.memref_slice %arg11[%dma_wait3A_121, %dma_wait3A_122] : memref<10112x128xf32, #tpu.memory_space<vmem_shared>> -> memref<10112x128xf32, #tpu.memory_space<vmem_shared>>
        tpu.wait_indirect_dma semaphore(%run_scoped3A_111 : memref<!tpu.dma_semaphore, #tpu.memory_space<semaphore_mem>>) src(%arg9 : memref<128x128xf32, #tpu.memory_space<vmem>>) dst(%dma_wait3A_123 : memref<10112x128xf32, #tpu.memory_space<vmem_shared>>)
        tpu.yield
      }) : () -> ()
      %dma_wait3A_94 = arith.constant 0 : i32
      %dma_wait3A_95 = arith.constant 0 : i32
      %dma_wait3A_96 = tpu.memref_slice %arg7[%dma_wait3A_94, %dma_wait3A_95] : memref<40x128xi32, #tpu.memory_space<vmem>> -> memref<1x128xi32, #tpu.memory_space<vmem>>
      %dma_wait3A_97 = tpu.memref_squeeze %dma_wait3A_96 : memref<1x128xi32, #tpu.memory_space<vmem>> -> memref<128xi32, #tpu.memory_space<vmem>>
      %dma_wait3A_98 = arith.constant 0 : i32
      %dma_wait3A_99 = arith.constant 0 : i32
      %dma_wait3A_100 = tpu.memref_slice %arg2[%dma_wait3A_98, %dma_wait3A_99] : memref<10112x128xf32, #tpu.memory_space<hbm>> -> memref<10112x128xf32, #tpu.memory_space<hbm>>
      tpu.wait_indirect_dma semaphore(%arg13 : memref<!tpu.dma_semaphore, #tpu.memory_space<semaphore_mem>>) src(%dma_wait3A_100 : memref<10112x128xf32, #tpu.memory_space<hbm>>) dst(%arg10 : memref<128x128xf32, #tpu.memory_space<vmem>>)
      %add3A_101 = arith.constant 2 : i32
      %add3A_102 = arith.addi %add3A_78, %add3A_101 : i32
      %dma_start3A_103 = arith.constant 0 : i32
      %dma_start3A_104 = tpu.memref_slice %arg7[%add3A_102, %dma_start3A_103] : memref<40x128xi32, #tpu.memory_space<vmem>> -> memref<1x128xi32, #tpu.memory_space<vmem>>
      %dma_start3A_105 = tpu.memref_squeeze %dma_start3A_104 : memref<1x128xi32, #tpu.memory_space<vmem>> -> memref<128xi32, #tpu.memory_space<vmem>>
      %dma_start3A_106 = arith.constant 0 : i32
      %dma_start3A_107 = arith.constant 0 : i32
      %dma_start3A_108 = tpu.memref_slice %arg2[%dma_start3A_106, %dma_start3A_107] : memref<10112x128xf32, #tpu.memory_space<hbm>> -> memref<10112x128xf32, #tpu.memory_space<hbm>>
      tpu.enqueue_indirect_dma source(%dma_start3A_108 : memref<10112x128xf32, #tpu.memory_space<hbm>>) target(%arg9 : memref<128x128xf32, #tpu.memory_space<vmem>>) offsets(%dma_start3A_105 : memref<128xi32, #tpu.memory_space<vmem>>) semaphore(%arg12 : memref<!tpu.dma_semaphore, #tpu.memory_space<semaphore_mem>>)
      %add3A_109 = arith.constant 1 : i32
      %add3A_110 = arith.addi %add3A_78, %add3A_109 : i32
      "tpu.region"() ({
        %run_scoped3A_111 = tpu.sem_alloc : memref<!tpu.dma_semaphore, #tpu.memory_space<semaphore_mem>>
        %dma_start3A_112 = arith.constant 0 : i32
        %dma_start3A_113 = tpu.memref_slice %arg8[%add3A_110, %dma_start3A_112] : memref<40x128xi32, #tpu.memory_space<vmem>> -> memref<1x128xi32, #tpu.memory_space<vmem>>
        %dma_start3A_114 = tpu.memref_squeeze %dma_start3A_113 : memref<1x128xi32, #tpu.memory_space<vmem>> -> memref<128xi32, #tpu.memory_space<vmem>>
        %dma_start3A_115 = arith.constant 0 : i32
        %dma_start3A_116 = arith.constant 0 : i32
        %dma_start3A_117 = tpu.memref_slice %arg11[%dma_start3A_115, %dma_start3A_116] : memref<10112x128xf32, #tpu.memory_space<vmem_shared>> -> memref<10112x128xf32, #tpu.memory_space<vmem_shared>>
        tpu.enqueue_indirect_dma source(%arg10 : memref<128x128xf32, #tpu.memory_space<vmem>>) target(%dma_start3A_117 : memref<10112x128xf32, #tpu.memory_space<vmem_shared>>) offsets(%dma_start3A_114 : memref<128xi32, #tpu.memory_space<vmem>>) semaphore(%run_scoped3A_111 : memref<!tpu.dma_semaphore, #tpu.memory_space<semaphore_mem>>) {add = true}
        %dma_wait3A_118 = arith.constant 0 : i32
        %dma_wait3A_119 = tpu.memref_slice %arg8[%add3A_110, %dma_wait3A_118] : memref<40x128xi32, #tpu.memory_space<vmem>> -> memref<1x128xi32, #tpu.memory_space<vmem>>
        %dma_wait3A_120 = tpu.memref_squeeze %dma_wait3A_119 : memref<1x128xi32, #tpu.memory_space<vmem>> -> memref<128xi32, #tpu.memory_space<vmem>>
        %dma_wait3A_121 = arith.constant 0 : i32
        %dma_wait3A_122 = arith.constant 0 : i32
        %dma_wait3A_123 = tpu.memref_slice %arg11[%dma_wait3A_121, %dma_wait3A_122] : memref<10112x128xf32, #tpu.memory_space<vmem_shared>> -> memref<10112x128xf32, #tpu.memory_space<vmem_shared>>
        tpu.wait_indirect_dma semaphore(%run_scoped3A_111 : memref<!tpu.dma_semaphore, #tpu.memory_space<semaphore_mem>>) src(%arg10 : memref<128x128xf32, #tpu.memory_space<vmem>>) dst(%dma_wait3A_123 : memref<10112x128xf32, #tpu.memory_space<vmem_shared>>)
        tpu.yield
      }) : () -> ()
    }
    %scan3A_12 = arith.constant 19 : i32
    %dma_wait3A = arith.constant 0 : i32
    %dma_wait3A_13 = arith.constant 0 : i32
    %dma_wait3A_14 = tpu.memref_slice %arg7[%dma_wait3A, %dma_wait3A_13] : memref<40x128xi32, #tpu.memory_space<vmem>> -> memref<1x128xi32, #tpu.memory_space<vmem>>
    %dma_wait3A_15 = tpu.memref_squeeze %dma_wait3A_14 : memref<1x128xi32, #tpu.memory_space<vmem>> -> memref<128xi32, #tpu.memory_space<vmem>>
    %dma_wait3A_16 = arith.constant 0 : i32
    %dma_wait3A_17 = arith.constant 0 : i32
    %dma_wait3A_18 = tpu.memref_slice %arg2[%dma_wait3A_16, %dma_wait3A_17] : memref<10112x128xf32, #tpu.memory_space<hbm>> -> memref<10112x128xf32, #tpu.memory_space<hbm>>
    tpu.wait_indirect_dma semaphore(%arg12 : memref<!tpu.dma_semaphore, #tpu.memory_space<semaphore_mem>>) src(%dma_wait3A_18 : memref<10112x128xf32, #tpu.memory_space<hbm>>) dst(%arg9 : memref<128x128xf32, #tpu.memory_space<vmem>>)
    %dma_start3A_19 = arith.constant 39 : i32
    %dma_start3A_20 = arith.constant 0 : i32
    %dma_start3A_21 = tpu.memref_slice %arg7[%dma_start3A_19, %dma_start3A_20] : memref<40x128xi32, #tpu.memory_space<vmem>> -> memref<1x128xi32, #tpu.memory_space<vmem>>
    %dma_start3A_22 = tpu.memref_squeeze %dma_start3A_21 : memref<1x128xi32, #tpu.memory_space<vmem>> -> memref<128xi32, #tpu.memory_space<vmem>>
    %dma_start3A_23 = arith.constant 0 : i32
    %dma_start3A_24 = arith.constant 0 : i32
    %dma_start3A_25 = tpu.memref_slice %arg2[%dma_start3A_23, %dma_start3A_24] : memref<10112x128xf32, #tpu.memory_space<hbm>> -> memref<10112x128xf32, #tpu.memory_space<hbm>>
    tpu.enqueue_indirect_dma source(%dma_start3A_25 : memref<10112x128xf32, #tpu.memory_space<hbm>>) target(%arg10 : memref<128x128xf32, #tpu.memory_space<vmem>>) offsets(%dma_start3A_22 : memref<128xi32, #tpu.memory_space<vmem>>) semaphore(%arg13 : memref<!tpu.dma_semaphore, #tpu.memory_space<semaphore_mem>>)
    %run_scoped3A = arith.constant 38 : i32
    "tpu.region"() ({
      %run_scoped3A_74 = tpu.sem_alloc : memref<!tpu.dma_semaphore, #tpu.memory_space<semaphore_mem>>
      %dma_start3A_75 = arith.constant 0 : i32
      %dma_start3A_76 = tpu.memref_slice %arg8[%run_scoped3A, %dma_start3A_75] : memref<40x128xi32, #tpu.memory_space<vmem>> -> memref<1x128xi32, #tpu.memory_space<vmem>>
      %dma_start3A_77 = tpu.memref_squeeze %dma_start3A_76 : memref<1x128xi32, #tpu.memory_space<vmem>> -> memref<128xi32, #tpu.memory_space<vmem>>
      %dma_start3A_78 = arith.constant 0 : i32
      %dma_start3A_79 = arith.constant 0 : i32
      %dma_start3A_80 = tpu.memref_slice %arg11[%dma_start3A_78, %dma_start3A_79] : memref<10112x128xf32, #tpu.memory_space<vmem_shared>> -> memref<10112x128xf32, #tpu.memory_space<vmem_shared>>
      tpu.enqueue_indirect_dma source(%arg9 : memref<128x128xf32, #tpu.memory_space<vmem>>) target(%dma_start3A_80 : memref<10112x128xf32, #tpu.memory_space<vmem_shared>>) offsets(%dma_start3A_77 : memref<128xi32, #tpu.memory_space<vmem>>) semaphore(%run_scoped3A_74 : memref<!tpu.dma_semaphore, #tpu.memory_space<semaphore_mem>>) {add = true}
      %dma_wait3A_81 = arith.constant 0 : i32
      %dma_wait3A_82 = tpu.memref_slice %arg8[%run_scoped3A, %dma_wait3A_81] : memref<40x128xi32, #tpu.memory_space<vmem>> -> memref<1x128xi32, #tpu.memory_space<vmem>>
      %dma_wait3A_83 = tpu.memref_squeeze %dma_wait3A_82 : memref<1x128xi32, #tpu.memory_space<vmem>> -> memref<128xi32, #tpu.memory_space<vmem>>
      %dma_wait3A_84 = arith.constant 0 : i32
      %dma_wait3A_85 = arith.constant 0 : i32
      %dma_wait3A_86 = tpu.memref_slice %arg11[%dma_wait3A_84, %dma_wait3A_85] : memref<10112x128xf32, #tpu.memory_space<vmem_shared>> -> memref<10112x128xf32, #tpu.memory_space<vmem_shared>>
      tpu.wait_indirect_dma semaphore(%run_scoped3A_74 : memref<!tpu.dma_semaphore, #tpu.memory_space<semaphore_mem>>) src(%arg9 : memref<128x128xf32, #tpu.memory_space<vmem>>) dst(%dma_wait3A_86 : memref<10112x128xf32, #tpu.memory_space<vmem_shared>>)
      tpu.yield
    }) : () -> ()
    %dma_wait3A_26 = arith.constant 0 : i32
    %dma_wait3A_27 = arith.constant 0 : i32
    %dma_wait3A_28 = tpu.memref_slice %arg7[%dma_wait3A_26, %dma_wait3A_27] : memref<40x128xi32, #tpu.memory_space<vmem>> -> memref<1x128xi32, #tpu.memory_space<vmem>>
    %dma_wait3A_29 = tpu.memref_squeeze %dma_wait3A_28 : memref<1x128xi32, #tpu.memory_space<vmem>> -> memref<128xi32, #tpu.memory_space<vmem>>
    %dma_wait3A_30 = arith.constant 0 : i32
    %dma_wait3A_31 = arith.constant 0 : i32
    %dma_wait3A_32 = tpu.memref_slice %arg2[%dma_wait3A_30, %dma_wait3A_31] : memref<10112x128xf32, #tpu.memory_space<hbm>> -> memref<10112x128xf32, #tpu.memory_space<hbm>>
    tpu.wait_indirect_dma semaphore(%arg13 : memref<!tpu.dma_semaphore, #tpu.memory_space<semaphore_mem>>) src(%dma_wait3A_32 : memref<10112x128xf32, #tpu.memory_space<hbm>>) dst(%arg10 : memref<128x128xf32, #tpu.memory_space<vmem>>)
    %run_scoped3A_33 = arith.constant 39 : i32
    "tpu.region"() ({
      %run_scoped3A_74 = tpu.sem_alloc : memref<!tpu.dma_semaphore, #tpu.memory_space<semaphore_mem>>
      %dma_start3A_75 = arith.constant 0 : i32
      %dma_start3A_76 = tpu.memref_slice %arg8[%run_scoped3A_33, %dma_start3A_75] : memref<40x128xi32, #tpu.memory_space<vmem>> -> memref<1x128xi32, #tpu.memory_space<vmem>>
      %dma_start3A_77 = tpu.memref_squeeze %dma_start3A_76 : memref<1x128xi32, #tpu.memory_space<vmem>> -> memref<128xi32, #tpu.memory_space<vmem>>
      %dma_start3A_78 = arith.constant 0 : i32
      %dma_start3A_79 = arith.constant 0 : i32
      %dma_start3A_80 = tpu.memref_slice %arg11[%dma_start3A_78, %dma_start3A_79] : memref<10112x128xf32, #tpu.memory_space<vmem_shared>> -> memref<10112x128xf32, #tpu.memory_space<vmem_shared>>
      tpu.enqueue_indirect_dma source(%arg10 : memref<128x128xf32, #tpu.memory_space<vmem>>) target(%dma_start3A_80 : memref<10112x128xf32, #tpu.memory_space<vmem_shared>>) offsets(%dma_start3A_77 : memref<128xi32, #tpu.memory_space<vmem>>) semaphore(%run_scoped3A_74 : memref<!tpu.dma_semaphore, #tpu.memory_space<semaphore_mem>>) {add = true}
      %dma_wait3A_81 = arith.constant 0 : i32
      %dma_wait3A_82 = tpu.memref_slice %arg8[%run_scoped3A_33, %dma_wait3A_81] : memref<40x128xi32, #tpu.memory_space<vmem>> -> memref<1x128xi32, #tpu.memory_space<vmem>>
      %dma_wait3A_83 = tpu.memref_squeeze %dma_wait3A_82 : memref<1x128xi32, #tpu.memory_space<vmem>> -> memref<128xi32, #tpu.memory_space<vmem>>
      %dma_wait3A_84 = arith.constant 0 : i32
      %dma_wait3A_85 = arith.constant 0 : i32
      %dma_wait3A_86 = tpu.memref_slice %arg11[%dma_wait3A_84, %dma_wait3A_85] : memref<10112x128xf32, #tpu.memory_space<vmem_shared>> -> memref<10112x128xf32, #tpu.memory_space<vmem_shared>>
      tpu.wait_indirect_dma semaphore(%run_scoped3A_74 : memref<!tpu.dma_semaphore, #tpu.memory_space<semaphore_mem>>) src(%arg10 : memref<128x128xf32, #tpu.memory_space<vmem>>) dst(%dma_wait3A_86 : memref<10112x128xf32, #tpu.memory_space<vmem_shared>>)
      tpu.yield
    }) : () -> ()
    "tpu.region"() ({
      %run_scoped3A_74 = tpu.sem_alloc : memref<!tpu.dma_semaphore, #tpu.memory_space<semaphore_mem>>
      %dma_start3A_75 = arith.constant 40 : i32
      %dma_start3A_76 = arith.constant 0 : i32
      %dma_start3A_77 = tpu.memref_slice %arg3[%add3A, %dma_start3A_75, %dma_start3A_76] : memref<32x80x128xi32, #tpu.memory_space<hbm>> -> memref<1x40x128xi32, #tpu.memory_space<hbm>>
      %dma_start3A_78 = tpu.memref_squeeze %dma_start3A_77 : memref<1x40x128xi32, #tpu.memory_space<hbm>> -> memref<40x128xi32, #tpu.memory_space<hbm>>
      %dma_start3A_79 = arith.constant 40 : i32
      %dma_start3A_80 = arith.constant 0 : i32
      %dma_start3A_81 = tpu.memref_slice %arg3[%add3A, %dma_start3A_79, %dma_start3A_80] : memref<32x80x128xi32, #tpu.memory_space<hbm>> -> memref<1x40x128xi32, #tpu.memory_space<hbm>>
      %dma_start3A_82 = tpu.memref_squeeze %dma_start3A_81 : memref<1x40x128xi32, #tpu.memory_space<hbm>> -> memref<40x128xi32, #tpu.memory_space<hbm>>
      tpu.enqueue_dma source(%dma_start3A_82 : memref<40x128xi32, #tpu.memory_space<hbm>>) target(%arg7 : memref<40x128xi32, #tpu.memory_space<vmem>>) target_semaphore(%run_scoped3A_74 : memref<!tpu.dma_semaphore, #tpu.memory_space<semaphore_mem>>)
      %dma_wait3A_83 = arith.constant 40 : i32
      %dma_wait3A_84 = arith.constant 0 : i32
      %dma_wait3A_85 = tpu.memref_slice %arg3[%add3A, %dma_wait3A_83, %dma_wait3A_84] : memref<32x80x128xi32, #tpu.memory_space<hbm>> -> memref<1x40x128xi32, #tpu.memory_space<hbm>>
      %dma_wait3A_86 = tpu.memref_squeeze %dma_wait3A_85 : memref<1x40x128xi32, #tpu.memory_space<hbm>> -> memref<40x128xi32, #tpu.memory_space<hbm>>
      %dma_wait3A_87 = arith.constant 40 : i32
      %dma_wait3A_88 = arith.constant 0 : i32
      %dma_wait3A_89 = tpu.memref_slice %arg3[%add3A, %dma_wait3A_87, %dma_wait3A_88] : memref<32x80x128xi32, #tpu.memory_space<hbm>> -> memref<1x40x128xi32, #tpu.memory_space<hbm>>
      %dma_wait3A_90 = tpu.memref_squeeze %dma_wait3A_89 : memref<1x40x128xi32, #tpu.memory_space<hbm>> -> memref<40x128xi32, #tpu.memory_space<hbm>>
      tpu.wait_dma2 semaphore(%run_scoped3A_74 : memref<!tpu.dma_semaphore, #tpu.memory_space<semaphore_mem>>) src(%dma_wait3A_90 : memref<40x128xi32, #tpu.memory_space<hbm>>) dst(%arg7 : memref<40x128xi32, #tpu.memory_space<vmem>>)
      tpu.yield
    }) : () -> ()
    "tpu.region"() ({
      %run_scoped3A_74 = tpu.sem_alloc : memref<!tpu.dma_semaphore, #tpu.memory_space<semaphore_mem>>
      %dma_start3A_75 = arith.constant 40 : i32
      %dma_start3A_76 = arith.constant 0 : i32
      %dma_start3A_77 = tpu.memref_slice %arg4[%add3A, %dma_start3A_75, %dma_start3A_76] : memref<32x80x128xi32, #tpu.memory_space<hbm>> -> memref<1x40x128xi32, #tpu.memory_space<hbm>>
      %dma_start3A_78 = tpu.memref_squeeze %dma_start3A_77 : memref<1x40x128xi32, #tpu.memory_space<hbm>> -> memref<40x128xi32, #tpu.memory_space<hbm>>
      %dma_start3A_79 = arith.constant 40 : i32
      %dma_start3A_80 = arith.constant 0 : i32
      %dma_start3A_81 = tpu.memref_slice %arg4[%add3A, %dma_start3A_79, %dma_start3A_80] : memref<32x80x128xi32, #tpu.memory_space<hbm>> -> memref<1x40x128xi32, #tpu.memory_space<hbm>>
      %dma_start3A_82 = tpu.memref_squeeze %dma_start3A_81 : memref<1x40x128xi32, #tpu.memory_space<hbm>> -> memref<40x128xi32, #tpu.memory_space<hbm>>
      tpu.enqueue_dma source(%dma_start3A_82 : memref<40x128xi32, #tpu.memory_space<hbm>>) target(%arg8 : memref<40x128xi32, #tpu.memory_space<vmem>>) target_semaphore(%run_scoped3A_74 : memref<!tpu.dma_semaphore, #tpu.memory_space<semaphore_mem>>)
      %dma_wait3A_83 = arith.constant 40 : i32
      %dma_wait3A_84 = arith.constant 0 : i32
      %dma_wait3A_85 = tpu.memref_slice %arg4[%add3A, %dma_wait3A_83, %dma_wait3A_84] : memref<32x80x128xi32, #tpu.memory_space<hbm>> -> memref<1x40x128xi32, #tpu.memory_space<hbm>>
      %dma_wait3A_86 = tpu.memref_squeeze %dma_wait3A_85 : memref<1x40x128xi32, #tpu.memory_space<hbm>> -> memref<40x128xi32, #tpu.memory_space<hbm>>
      %dma_wait3A_87 = arith.constant 40 : i32
      %dma_wait3A_88 = arith.constant 0 : i32
      %dma_wait3A_89 = tpu.memref_slice %arg4[%add3A, %dma_wait3A_87, %dma_wait3A_88] : memref<32x80x128xi32, #tpu.memory_space<hbm>> -> memref<1x40x128xi32, #tpu.memory_space<hbm>>
      %dma_wait3A_90 = tpu.memref_squeeze %dma_wait3A_89 : memref<1x40x128xi32, #tpu.memory_space<hbm>> -> memref<40x128xi32, #tpu.memory_space<hbm>>
      tpu.wait_dma2 semaphore(%run_scoped3A_74 : memref<!tpu.dma_semaphore, #tpu.memory_space<semaphore_mem>>) src(%dma_wait3A_90 : memref<40x128xi32, #tpu.memory_space<hbm>>) dst(%arg8 : memref<40x128xi32, #tpu.memory_space<vmem>>)
      tpu.yield
    }) : () -> ()
    %dma_start3A_34 = arith.constant 0 : i32
    %dma_start3A_35 = arith.constant 0 : i32
    %dma_start3A_36 = tpu.memref_slice %arg7[%dma_start3A_34, %dma_start3A_35] : memref<40x128xi32, #tpu.memory_space<vmem>> -> memref<1x128xi32, #tpu.memory_space<vmem>>
    %dma_start3A_37 = tpu.memref_squeeze %dma_start3A_36 : memref<1x128xi32, #tpu.memory_space<vmem>> -> memref<128xi32, #tpu.memory_space<vmem>>
    %dma_start3A_38 = arith.constant 0 : i32
    %dma_start3A_39 = arith.constant 0 : i32
    %dma_start3A_40 = tpu.memref_slice %arg2[%dma_start3A_38, %dma_start3A_39] : memref<10112x128xf32, #tpu.memory_space<hbm>> -> memref<10112x128xf32, #tpu.memory_space<hbm>>
    tpu.enqueue_indirect_dma source(%dma_start3A_40 : memref<10112x128xf32, #tpu.memory_space<hbm>>) target(%arg9 : memref<128x128xf32, #tpu.memory_space<vmem>>) offsets(%dma_start3A_37 : memref<128xi32, #tpu.memory_space<vmem>>) semaphore(%arg12 : memref<!tpu.dma_semaphore, #tpu.memory_space<semaphore_mem>>)
    %scan3A_41 = arith.constant 0 : i32
    %scan3A_42 = arith.constant 19 : i32
    %scan3A_43 = arith.addi %scan3A_41, %scan3A_42 : i32
    %scan3A_44 = arith.constant 1 : i32
    scf.for %scan3A_74 = %scan3A_41 to %scan3A_43 step %scan3A_44  : i32 {
      %mul3A_75 = arith.constant 2 : i32
      %mul3A_76 = arith.muli %scan3A_74, %mul3A_75 : i32
      %add3A_77 = arith.constant 0 : i32
      %add3A_78 = arith.addi %add3A_77, %mul3A_76 : i32
      %dma_wait3A_79 = arith.constant 0 : i32
      %dma_wait3A_80 = arith.constant 0 : i32
      %dma_wait3A_81 = tpu.memref_slice %arg7[%dma_wait3A_79, %dma_wait3A_80] : memref<40x128xi32, #tpu.memory_space<vmem>> -> memref<1x128xi32, #tpu.memory_space<vmem>>
      %dma_wait3A_82 = tpu.memref_squeeze %dma_wait3A_81 : memref<1x128xi32, #tpu.memory_space<vmem>> -> memref<128xi32, #tpu.memory_space<vmem>>
      %dma_wait3A_83 = arith.constant 0 : i32
      %dma_wait3A_84 = arith.constant 0 : i32
      %dma_wait3A_85 = tpu.memref_slice %arg2[%dma_wait3A_83, %dma_wait3A_84] : memref<10112x128xf32, #tpu.memory_space<hbm>> -> memref<10112x128xf32, #tpu.memory_space<hbm>>
      tpu.wait_indirect_dma semaphore(%arg12 : memref<!tpu.dma_semaphore, #tpu.memory_space<semaphore_mem>>) src(%dma_wait3A_85 : memref<10112x128xf32, #tpu.memory_space<hbm>>) dst(%arg9 : memref<128x128xf32, #tpu.memory_space<vmem>>)
      %add3A_86 = arith.constant 1 : i32
      %add3A_87 = arith.addi %add3A_78, %add3A_86 : i32
      %dma_start3A_88 = arith.constant 0 : i32
      %dma_start3A_89 = tpu.memref_slice %arg7[%add3A_87, %dma_start3A_88] : memref<40x128xi32, #tpu.memory_space<vmem>> -> memref<1x128xi32, #tpu.memory_space<vmem>>
      %dma_start3A_90 = tpu.memref_squeeze %dma_start3A_89 : memref<1x128xi32, #tpu.memory_space<vmem>> -> memref<128xi32, #tpu.memory_space<vmem>>
      %dma_start3A_91 = arith.constant 0 : i32
      %dma_start3A_92 = arith.constant 0 : i32
      %dma_start3A_93 = tpu.memref_slice %arg2[%dma_start3A_91, %dma_start3A_92] : memref<10112x128xf32, #tpu.memory_space<hbm>> -> memref<10112x128xf32, #tpu.memory_space<hbm>>
      tpu.enqueue_indirect_dma source(%dma_start3A_93 : memref<10112x128xf32, #tpu.memory_space<hbm>>) target(%arg10 : memref<128x128xf32, #tpu.memory_space<vmem>>) offsets(%dma_start3A_90 : memref<128xi32, #tpu.memory_space<vmem>>) semaphore(%arg13 : memref<!tpu.dma_semaphore, #tpu.memory_space<semaphore_mem>>)
      "tpu.region"() ({
        %run_scoped3A_111 = tpu.sem_alloc : memref<!tpu.dma_semaphore, #tpu.memory_space<semaphore_mem>>
        %dma_start3A_112 = arith.constant 0 : i32
        %dma_start3A_113 = tpu.memref_slice %arg8[%add3A_78, %dma_start3A_112] : memref<40x128xi32, #tpu.memory_space<vmem>> -> memref<1x128xi32, #tpu.memory_space<vmem>>
        %dma_start3A_114 = tpu.memref_squeeze %dma_start3A_113 : memref<1x128xi32, #tpu.memory_space<vmem>> -> memref<128xi32, #tpu.memory_space<vmem>>
        %dma_start3A_115 = arith.constant 0 : i32
        %dma_start3A_116 = arith.constant 0 : i32
        %dma_start3A_117 = tpu.memref_slice %arg11[%dma_start3A_115, %dma_start3A_116] : memref<10112x128xf32, #tpu.memory_space<vmem_shared>> -> memref<10112x128xf32, #tpu.memory_space<vmem_shared>>
        tpu.enqueue_indirect_dma source(%arg9 : memref<128x128xf32, #tpu.memory_space<vmem>>) target(%dma_start3A_117 : memref<10112x128xf32, #tpu.memory_space<vmem_shared>>) offsets(%dma_start3A_114 : memref<128xi32, #tpu.memory_space<vmem>>) semaphore(%run_scoped3A_111 : memref<!tpu.dma_semaphore, #tpu.memory_space<semaphore_mem>>) {add = true}
        %dma_wait3A_118 = arith.constant 0 : i32
        %dma_wait3A_119 = tpu.memref_slice %arg8[%add3A_78, %dma_wait3A_118] : memref<40x128xi32, #tpu.memory_space<vmem>> -> memref<1x128xi32, #tpu.memory_space<vmem>>
        %dma_wait3A_120 = tpu.memref_squeeze %dma_wait3A_119 : memref<1x128xi32, #tpu.memory_space<vmem>> -> memref<128xi32, #tpu.memory_space<vmem>>
        %dma_wait3A_121 = arith.constant 0 : i32
        %dma_wait3A_122 = arith.constant 0 : i32
        %dma_wait3A_123 = tpu.memref_slice %arg11[%dma_wait3A_121, %dma_wait3A_122] : memref<10112x128xf32, #tpu.memory_space<vmem_shared>> -> memref<10112x128xf32, #tpu.memory_space<vmem_shared>>
        tpu.wait_indirect_dma semaphore(%run_scoped3A_111 : memref<!tpu.dma_semaphore, #tpu.memory_space<semaphore_mem>>) src(%arg9 : memref<128x128xf32, #tpu.memory_space<vmem>>) dst(%dma_wait3A_123 : memref<10112x128xf32, #tpu.memory_space<vmem_shared>>)
        tpu.yield
      }) : () -> ()
      %dma_wait3A_94 = arith.constant 0 : i32
      %dma_wait3A_95 = arith.constant 0 : i32
      %dma_wait3A_96 = tpu.memref_slice %arg7[%dma_wait3A_94, %dma_wait3A_95] : memref<40x128xi32, #tpu.memory_space<vmem>> -> memref<1x128xi32, #tpu.memory_space<vmem>>
      %dma_wait3A_97 = tpu.memref_squeeze %dma_wait3A_96 : memref<1x128xi32, #tpu.memory_space<vmem>> -> memref<128xi32, #tpu.memory_space<vmem>>
      %dma_wait3A_98 = arith.constant 0 : i32
      %dma_wait3A_99 = arith.constant 0 : i32
      %dma_wait3A_100 = tpu.memref_slice %arg2[%dma_wait3A_98, %dma_wait3A_99] : memref<10112x128xf32, #tpu.memory_space<hbm>> -> memref<10112x128xf32, #tpu.memory_space<hbm>>
      tpu.wait_indirect_dma semaphore(%arg13 : memref<!tpu.dma_semaphore, #tpu.memory_space<semaphore_mem>>) src(%dma_wait3A_100 : memref<10112x128xf32, #tpu.memory_space<hbm>>) dst(%arg10 : memref<128x128xf32, #tpu.memory_space<vmem>>)
      %add3A_101 = arith.constant 2 : i32
      %add3A_102 = arith.addi %add3A_78, %add3A_101 : i32
      %dma_start3A_103 = arith.constant 0 : i32
      %dma_start3A_104 = tpu.memref_slice %arg7[%add3A_102, %dma_start3A_103] : memref<40x128xi32, #tpu.memory_space<vmem>> -> memref<1x128xi32, #tpu.memory_space<vmem>>
      %dma_start3A_105 = tpu.memref_squeeze %dma_start3A_104 : memref<1x128xi32, #tpu.memory_space<vmem>> -> memref<128xi32, #tpu.memory_space<vmem>>
      %dma_start3A_106 = arith.constant 0 : i32
      %dma_start3A_107 = arith.constant 0 : i32
      %dma_start3A_108 = tpu.memref_slice %arg2[%dma_start3A_106, %dma_start3A_107] : memref<10112x128xf32, #tpu.memory_space<hbm>> -> memref<10112x128xf32, #tpu.memory_space<hbm>>
      tpu.enqueue_indirect_dma source(%dma_start3A_108 : memref<10112x128xf32, #tpu.memory_space<hbm>>) target(%arg9 : memref<128x128xf32, #tpu.memory_space<vmem>>) offsets(%dma_start3A_105 : memref<128xi32, #tpu.memory_space<vmem>>) semaphore(%arg12 : memref<!tpu.dma_semaphore, #tpu.memory_space<semaphore_mem>>)
      %add3A_109 = arith.constant 1 : i32
      %add3A_110 = arith.addi %add3A_78, %add3A_109 : i32
      "tpu.region"() ({
        %run_scoped3A_111 = tpu.sem_alloc : memref<!tpu.dma_semaphore, #tpu.memory_space<semaphore_mem>>
        %dma_start3A_112 = arith.constant 0 : i32
        %dma_start3A_113 = tpu.memref_slice %arg8[%add3A_110, %dma_start3A_112] : memref<40x128xi32, #tpu.memory_space<vmem>> -> memref<1x128xi32, #tpu.memory_space<vmem>>
        %dma_start3A_114 = tpu.memref_squeeze %dma_start3A_113 : memref<1x128xi32, #tpu.memory_space<vmem>> -> memref<128xi32, #tpu.memory_space<vmem>>
        %dma_start3A_115 = arith.constant 0 : i32
        %dma_start3A_116 = arith.constant 0 : i32
        %dma_start3A_117 = tpu.memref_slice %arg11[%dma_start3A_115, %dma_start3A_116] : memref<10112x128xf32, #tpu.memory_space<vmem_shared>> -> memref<10112x128xf32, #tpu.memory_space<vmem_shared>>
        tpu.enqueue_indirect_dma source(%arg10 : memref<128x128xf32, #tpu.memory_space<vmem>>) target(%dma_start3A_117 : memref<10112x128xf32, #tpu.memory_space<vmem_shared>>) offsets(%dma_start3A_114 : memref<128xi32, #tpu.memory_space<vmem>>) semaphore(%run_scoped3A_111 : memref<!tpu.dma_semaphore, #tpu.memory_space<semaphore_mem>>) {add = true}
        %dma_wait3A_118 = arith.constant 0 : i32
        %dma_wait3A_119 = tpu.memref_slice %arg8[%add3A_110, %dma_wait3A_118] : memref<40x128xi32, #tpu.memory_space<vmem>> -> memref<1x128xi32, #tpu.memory_space<vmem>>
        %dma_wait3A_120 = tpu.memref_squeeze %dma_wait3A_119 : memref<1x128xi32, #tpu.memory_space<vmem>> -> memref<128xi32, #tpu.memory_space<vmem>>
        %dma_wait3A_121 = arith.constant 0 : i32
        %dma_wait3A_122 = arith.constant 0 : i32
        %dma_wait3A_123 = tpu.memref_slice %arg11[%dma_wait3A_121, %dma_wait3A_122] : memref<10112x128xf32, #tpu.memory_space<vmem_shared>> -> memref<10112x128xf32, #tpu.memory_space<vmem_shared>>
        tpu.wait_indirect_dma semaphore(%run_scoped3A_111 : memref<!tpu.dma_semaphore, #tpu.memory_space<semaphore_mem>>) src(%arg10 : memref<128x128xf32, #tpu.memory_space<vmem>>) dst(%dma_wait3A_123 : memref<10112x128xf32, #tpu.memory_space<vmem_shared>>)
        tpu.yield
      }) : () -> ()
    }
    %scan3A_45 = arith.constant 19 : i32
    %dma_wait3A_46 = arith.constant 0 : i32
    %dma_wait3A_47 = arith.constant 0 : i32
    %dma_wait3A_48 = tpu.memref_slice %arg7[%dma_wait3A_46, %dma_wait3A_47] : memref<40x128xi32, #tpu.memory_space<vmem>> -> memref<1x128xi32, #tpu.memory_space<vmem>>
    %dma_wait3A_49 = tpu.memref_squeeze %dma_wait3A_48 : memref<1x128xi32, #tpu.memory_space<vmem>> -> memref<128xi32, #tpu.memory_space<vmem>>
    %dma_wait3A_50 = arith.constant 0 : i32
    %dma_wait3A_51 = arith.constant 0 : i32
    %dma_wait3A_52 = tpu.memref_slice %arg2[%dma_wait3A_50, %dma_wait3A_51] : memref<10112x128xf32, #tpu.memory_space<hbm>> -> memref<10112x128xf32, #tpu.memory_space<hbm>>
    tpu.wait_indirect_dma semaphore(%arg12 : memref<!tpu.dma_semaphore, #tpu.memory_space<semaphore_mem>>) src(%dma_wait3A_52 : memref<10112x128xf32, #tpu.memory_space<hbm>>) dst(%arg9 : memref<128x128xf32, #tpu.memory_space<vmem>>)
    %dma_start3A_53 = arith.constant 39 : i32
    %dma_start3A_54 = arith.constant 0 : i32
    %dma_start3A_55 = tpu.memref_slice %arg7[%dma_start3A_53, %dma_start3A_54] : memref<40x128xi32, #tpu.memory_space<vmem>> -> memref<1x128xi32, #tpu.memory_space<vmem>>
    %dma_start3A_56 = tpu.memref_squeeze %dma_start3A_55 : memref<1x128xi32, #tpu.memory_space<vmem>> -> memref<128xi32, #tpu.memory_space<vmem>>
    %dma_start3A_57 = arith.constant 0 : i32
    %dma_start3A_58 = arith.constant 0 : i32
    %dma_start3A_59 = tpu.memref_slice %arg2[%dma_start3A_57, %dma_start3A_58] : memref<10112x128xf32, #tpu.memory_space<hbm>> -> memref<10112x128xf32, #tpu.memory_space<hbm>>
    tpu.enqueue_indirect_dma source(%dma_start3A_59 : memref<10112x128xf32, #tpu.memory_space<hbm>>) target(%arg10 : memref<128x128xf32, #tpu.memory_space<vmem>>) offsets(%dma_start3A_56 : memref<128xi32, #tpu.memory_space<vmem>>) semaphore(%arg13 : memref<!tpu.dma_semaphore, #tpu.memory_space<semaphore_mem>>)
    %run_scoped3A_60 = arith.constant 38 : i32
    "tpu.region"() ({
      %run_scoped3A_74 = tpu.sem_alloc : memref<!tpu.dma_semaphore, #tpu.memory_space<semaphore_mem>>
      %dma_start3A_75 = arith.constant 0 : i32
      %dma_start3A_76 = tpu.memref_slice %arg8[%run_scoped3A_60, %dma_start3A_75] : memref<40x128xi32, #tpu.memory_space<vmem>> -> memref<1x128xi32, #tpu.memory_space<vmem>>
      %dma_start3A_77 = tpu.memref_squeeze %dma_start3A_76 : memref<1x128xi32, #tpu.memory_space<vmem>> -> memref<128xi32, #tpu.memory_space<vmem>>
      %dma_start3A_78 = arith.constant 0 : i32
      %dma_start3A_79 = arith.constant 0 : i32
      %dma_start3A_80 = tpu.memref_slice %arg11[%dma_start3A_78, %dma_start3A_79] : memref<10112x128xf32, #tpu.memory_space<vmem_shared>> -> memref<10112x128xf32, #tpu.memory_space<vmem_shared>>
      tpu.enqueue_indirect_dma source(%arg9 : memref<128x128xf32, #tpu.memory_space<vmem>>) target(%dma_start3A_80 : memref<10112x128xf32, #tpu.memory_space<vmem_shared>>) offsets(%dma_start3A_77 : memref<128xi32, #tpu.memory_space<vmem>>) semaphore(%run_scoped3A_74 : memref<!tpu.dma_semaphore, #tpu.memory_space<semaphore_mem>>) {add = true}
      %dma_wait3A_81 = arith.constant 0 : i32
      %dma_wait3A_82 = tpu.memref_slice %arg8[%run_scoped3A_60, %dma_wait3A_81] : memref<40x128xi32, #tpu.memory_space<vmem>> -> memref<1x128xi32, #tpu.memory_space<vmem>>
      %dma_wait3A_83 = tpu.memref_squeeze %dma_wait3A_82 : memref<1x128xi32, #tpu.memory_space<vmem>> -> memref<128xi32, #tpu.memory_space<vmem>>
      %dma_wait3A_84 = arith.constant 0 : i32
      %dma_wait3A_85 = arith.constant 0 : i32
      %dma_wait3A_86 = tpu.memref_slice %arg11[%dma_wait3A_84, %dma_wait3A_85] : memref<10112x128xf32, #tpu.memory_space<vmem_shared>> -> memref<10112x128xf32, #tpu.memory_space<vmem_shared>>
      tpu.wait_indirect_dma semaphore(%run_scoped3A_74 : memref<!tpu.dma_semaphore, #tpu.memory_space<semaphore_mem>>) src(%arg9 : memref<128x128xf32, #tpu.memory_space<vmem>>) dst(%dma_wait3A_86 : memref<10112x128xf32, #tpu.memory_space<vmem_shared>>)
      tpu.yield
    }) : () -> ()
    %dma_wait3A_61 = arith.constant 0 : i32
    %dma_wait3A_62 = arith.constant 0 : i32
    %dma_wait3A_63 = tpu.memref_slice %arg7[%dma_wait3A_61, %dma_wait3A_62] : memref<40x128xi32, #tpu.memory_space<vmem>> -> memref<1x128xi32, #tpu.memory_space<vmem>>
    %dma_wait3A_64 = tpu.memref_squeeze %dma_wait3A_63 : memref<1x128xi32, #tpu.memory_space<vmem>> -> memref<128xi32, #tpu.memory_space<vmem>>
    %dma_wait3A_65 = arith.constant 0 : i32
    %dma_wait3A_66 = arith.constant 0 : i32
    %dma_wait3A_67 = tpu.memref_slice %arg2[%dma_wait3A_65, %dma_wait3A_66] : memref<10112x128xf32, #tpu.memory_space<hbm>> -> memref<10112x128xf32, #tpu.memory_space<hbm>>
    tpu.wait_indirect_dma semaphore(%arg13 : memref<!tpu.dma_semaphore, #tpu.memory_space<semaphore_mem>>) src(%dma_wait3A_67 : memref<10112x128xf32, #tpu.memory_space<hbm>>) dst(%arg10 : memref<128x128xf32, #tpu.memory_space<vmem>>)
    %run_scoped3A_68 = arith.constant 39 : i32
    "tpu.region"() ({
      %run_scoped3A_74 = tpu.sem_alloc : memref<!tpu.dma_semaphore, #tpu.memory_space<semaphore_mem>>
      %dma_start3A_75 = arith.constant 0 : i32
      %dma_start3A_76 = tpu.memref_slice %arg8[%run_scoped3A_68, %dma_start3A_75] : memref<40x128xi32, #tpu.memory_space<vmem>> -> memref<1x128xi32, #tpu.memory_space<vmem>>
      %dma_start3A_77 = tpu.memref_squeeze %dma_start3A_76 : memref<1x128xi32, #tpu.memory_space<vmem>> -> memref<128xi32, #tpu.memory_space<vmem>>
      %dma_start3A_78 = arith.constant 0 : i32
      %dma_start3A_79 = arith.constant 0 : i32
      %dma_start3A_80 = tpu.memref_slice %arg11[%dma_start3A_78, %dma_start3A_79] : memref<10112x128xf32, #tpu.memory_space<vmem_shared>> -> memref<10112x128xf32, #tpu.memory_space<vmem_shared>>
      tpu.enqueue_indirect_dma source(%arg10 : memref<128x128xf32, #tpu.memory_space<vmem>>) target(%dma_start3A_80 : memref<10112x128xf32, #tpu.memory_space<vmem_shared>>) offsets(%dma_start3A_77 : memref<128xi32, #tpu.memory_space<vmem>>) semaphore(%run_scoped3A_74 : memref<!tpu.dma_semaphore, #tpu.memory_space<semaphore_mem>>) {add = true}
      %dma_wait3A_81 = arith.constant 0 : i32
      %dma_wait3A_82 = tpu.memref_slice %arg8[%run_scoped3A_68, %dma_wait3A_81] : memref<40x128xi32, #tpu.memory_space<vmem>> -> memref<1x128xi32, #tpu.memory_space<vmem>>
      %dma_wait3A_83 = tpu.memref_squeeze %dma_wait3A_82 : memref<1x128xi32, #tpu.memory_space<vmem>> -> memref<128xi32, #tpu.memory_space<vmem>>
      %dma_wait3A_84 = arith.constant 0 : i32
      %dma_wait3A_85 = arith.constant 0 : i32
      %dma_wait3A_86 = tpu.memref_slice %arg11[%dma_wait3A_84, %dma_wait3A_85] : memref<10112x128xf32, #tpu.memory_space<vmem_shared>> -> memref<10112x128xf32, #tpu.memory_space<vmem_shared>>
      tpu.wait_indirect_dma semaphore(%run_scoped3A_74 : memref<!tpu.dma_semaphore, #tpu.memory_space<semaphore_mem>>) src(%arg10 : memref<128x128xf32, #tpu.memory_space<vmem>>) dst(%dma_wait3A_86 : memref<10112x128xf32, #tpu.memory_space<vmem_shared>>)
      tpu.yield
    }) : () -> ()
    %barrier3A_69 = arith.constant 0 : index
    tpu.barrier barrier_id(%barrier3A_69)
    %mul3A_70 = arith.constant 632 : i32
    %mul3A_71 = arith.muli %arg1, %mul3A_70 : i32
    %mul3A_72 = arith.constant 632 : i32
    %mul3A_73 = arith.muli %arg1, %mul3A_72 : i32
    "tpu.region"() ({
      %run_scoped3A_74 = tpu.sem_alloc : memref<!tpu.dma_semaphore, #tpu.memory_space<semaphore_mem>>
      %dma_start3A_75 = arith.constant 0 : i32
      %dma_start3A_76 = tpu.memref_slice %arg6[%arg0, %mul3A_73, %dma_start3A_75] : memref<2x10112x128xf32, #tpu.memory_space<hbm>> -> memref<1x632x128xf32, #tpu.memory_space<hbm>>
      %dma_start3A_77 = tpu.memref_squeeze %dma_start3A_76 : memref<1x632x128xf32, #tpu.memory_space<hbm>> -> memref<632x128xf32, #tpu.memory_space<hbm>>
      %dma_start3A_78 = arith.constant 0 : i32
      %dma_start3A_79 = tpu.memref_slice %arg11[%mul3A_71, %dma_start3A_78] : memref<10112x128xf32, #tpu.memory_space<vmem_shared>> -> memref<632x128xf32, #tpu.memory_space<vmem_shared>>
      tpu.enqueue_dma source(%dma_start3A_79 : memref<632x128xf32, #tpu.memory_space<vmem_shared>>) target(%dma_start3A_77 : memref<632x128xf32, #tpu.memory_space<hbm>>) target_semaphore(%run_scoped3A_74 : memref<!tpu.dma_semaphore, #tpu.memory_space<semaphore_mem>>)
      %dma_wait3A_80 = arith.constant 0 : i32
      %dma_wait3A_81 = tpu.memref_slice %arg6[%arg0, %mul3A_73, %dma_wait3A_80] : memref<2x10112x128xf32, #tpu.memory_space<hbm>> -> memref<1x632x128xf32, #tpu.memory_space<hbm>>
      %dma_wait3A_82 = tpu.memref_squeeze %dma_wait3A_81 : memref<1x632x128xf32, #tpu.memory_space<hbm>> -> memref<632x128xf32, #tpu.memory_space<hbm>>
      %dma_wait3A_83 = arith.constant 0 : i32
      %dma_wait3A_84 = tpu.memref_slice %arg11[%mul3A_71, %dma_wait3A_83] : memref<10112x128xf32, #tpu.memory_space<vmem_shared>> -> memref<632x128xf32, #tpu.memory_space<vmem_shared>>
      tpu.wait_dma2 semaphore(%run_scoped3A_74 : memref<!tpu.dma_semaphore, #tpu.memory_space<semaphore_mem>>) src(%dma_wait3A_84 : memref<632x128xf32, #tpu.memory_space<vmem_shared>>) dst(%dma_wait3A_82 : memref<632x128xf32, #tpu.memory_space<hbm>>)
      tpu.yield
    }) : () -> ()
    return
  }
}

module attributes {stable_mosaic.version = 14 : i64} {
  func.func @body(%arg0: memref<10112x128xf32, #tpu.memory_space<vmem>>, %arg1: memref<128x128xf32, #tpu.memory_space<vmem>>, %arg2: memref<2x10112x16xf32, #tpu.memory_space<vmem>>, %arg3: memref<10112x128xf32, #tpu.memory_space<vmem>>, %arg4: memref<10112x16xf32, #tpu.memory_space<vmem>>) attributes {dimension_semantics = [], scalar_prefetch = 0 : i64, scratch_operands = 0 : i64, tpu.core_type = #tpu.core_type<tc>} {
    %get3A = arith.constant 0 : index
    %get3A_0 = arith.constant 0 : index
    %get3A_1 = vector.load %arg0[%get3A, %get3A_0] : memref<10112x128xf32, #tpu.memory_space<vmem>>, vector<10112x128xf32>
    %get3A_2 = arith.constant 0 : index
    %get3A_3 = arith.constant 0 : index
    %get3A_4 = vector.load %arg1[%get3A_2, %get3A_3] : memref<128x128xf32, #tpu.memory_space<vmem>>, vector<128x128xf32>
    %dot_general3A = arith.constant dense<0.000000e+00> : vector<10112x128xf32>
    %dot_general3A_5 = tpu.matmul %get3A_1, %get3A_4, %dot_general3A {dimension_numbers = #tpu.dot_dimension_numbers<[1], [0], [0], [1], [0, 0, 1, 1], [], []>, transpose_lhs_hint = false} : vector<10112x128xf32>, vector<128x128xf32>, vector<10112x128xf32> -> vector<10112x128xf32>
    %get3A_6 = arith.constant 0 : index
    %get3A_7 = arith.constant 0 : index
    %get3A_8 = arith.constant 0 : index
    %get3A_9 = vector.load %arg2[%get3A_6, %get3A_7, %get3A_8] : memref<2x10112x16xf32, #tpu.memory_space<vmem>>, vector<1x10112x1xf32>
    %get3A_10 = vector.shape_cast %get3A_9 : vector<1x10112x1xf32> to vector<10112x1xf32>
    %max3A = arith.constant 1.000000e+00 : f32
    %max3A_11 = vector.broadcast %max3A : f32 to vector<10112x1xf32>
    %max3A_12 = arith.maximumf %get3A_10, %max3A_11 : vector<10112x1xf32>
    %rsqrt3A = math.rsqrt %max3A_12 : vector<10112x1xf32>
    %get3A_13 = arith.constant 1 : index
    %get3A_14 = arith.constant 0 : index
    %get3A_15 = arith.constant 0 : index
    %get3A_16 = vector.load %arg2[%get3A_13, %get3A_14, %get3A_15] : memref<2x10112x16xf32, #tpu.memory_space<vmem>>, vector<1x10112x1xf32>
    %get3A_17 = vector.shape_cast %get3A_16 : vector<1x10112x1xf32> to vector<10112x1xf32>
    %max3A_18 = arith.constant 1.000000e+00 : f32
    %max3A_19 = vector.broadcast %max3A_18 : f32 to vector<10112x1xf32>
    %max3A_20 = arith.maximumf %get3A_17, %max3A_19 : vector<10112x1xf32>
    %rsqrt3A_21 = math.rsqrt %max3A_20 : vector<10112x1xf32>
    %mul3A = vector.broadcast %rsqrt3A : vector<10112x1xf32> to vector<10112x128xf32>
    %mul3A_22 = arith.mulf %dot_general3A_5, %mul3A : vector<10112x128xf32>
    %swap3A = arith.constant 0 : index
    %swap3A_23 = arith.constant 0 : index
    %swap3A_24 = vector.load %arg3[%swap3A, %swap3A_23] : memref<10112x128xf32, #tpu.memory_space<vmem>>, vector<10112x128xf32>
    tpu.vector_store %arg3[%swap3A, %swap3A_23], %mul3A_22 {strides = array<i32>} : memref<10112x128xf32, #tpu.memory_space<vmem>>, vector<10112x128xf32>,
    %broadcast_in_dim3A = vector.shape_cast %rsqrt3A : vector<10112x1xf32> to vector<10112x1xf32>
    %broadcast_in_dim3A_25 = vector.broadcast %broadcast_in_dim3A : vector<10112x1xf32> to vector<10112x8xf32>
    %broadcast_in_dim3A_26 = vector.shape_cast %rsqrt3A_21 : vector<10112x1xf32> to vector<10112x1xf32>
    %broadcast_in_dim3A_27 = vector.broadcast %broadcast_in_dim3A_26 : vector<10112x1xf32> to vector<10112x8xf32>
    %concatenate3A = tpu.concatenate %broadcast_in_dim3A_25, %broadcast_in_dim3A_27 in 1 : vector<10112x8xf32>, vector<10112x8xf32> -> vector<10112x16xf32>
    %swap3A_28 = arith.constant 0 : index
    %swap3A_29 = arith.constant 0 : index
    %swap3A_30 = vector.load %arg4[%swap3A_28, %swap3A_29] : memref<10112x16xf32, #tpu.memory_space<vmem>>, vector<10112x16xf32>
    tpu.vector_store %arg4[%swap3A_28, %swap3A_29], %concatenate3A {strides = array<i32>} : memref<10112x16xf32, #tpu.memory_space<vmem>>, vector<10112x16xf32>,
    return
  }
}

module attributes {stable_mosaic.version = 14 : i64} {
  func.func @body(%arg0: memref<2x10112x128xf32, #tpu.memory_space<vmem>>, %arg1: memref<10112x16xf32, #tpu.memory_space<vmem>>, %arg2: memref<1x128xf32, #tpu.memory_space<vmem>>, %arg3: memref<1x128xf32, #tpu.memory_space<vmem>>, %arg4: memref<1x128xf32, #tpu.memory_space<vmem>>, %arg5: memref<128x128xf32, #tpu.memory_space<vmem>>, %arg6: memref<10112x128xf32, #tpu.memory_space<vmem>>) attributes {dimension_semantics = [], scalar_prefetch = 0 : i64, scratch_operands = 0 : i64, tpu.core_type = #tpu.core_type<tc>} {
    %get3A = arith.constant 0 : index
    %get3A_0 = arith.constant 0 : index
    %get3A_1 = arith.constant 0 : index
    %get3A_2 = vector.load %arg0[%get3A, %get3A_0, %get3A_1] : memref<2x10112x128xf32, #tpu.memory_space<vmem>>, vector<1x10000x128xf32>
    %get3A_3 = vector.shape_cast %get3A_2 : vector<1x10000x128xf32> to vector<10000x128xf32>
    %get3A_4 = arith.constant 1 : index
    %get3A_5 = arith.constant 0 : index
    %get3A_6 = arith.constant 0 : index
    %get3A_7 = vector.load %arg0[%get3A_4, %get3A_5, %get3A_6] : memref<2x10112x128xf32, #tpu.memory_space<vmem>>, vector<1x10000x128xf32>
    %get3A_8 = vector.shape_cast %get3A_7 : vector<1x10000x128xf32> to vector<10000x128xf32>
    %add3A = arith.addf %get3A_3, %get3A_8 : vector<10000x128xf32>
    %get3A_9 = arith.constant 0 : index
    %get3A_10 = arith.constant 8 : index
    %get3A_11 = vector.load %arg1[%get3A_9, %get3A_10] : memref<10112x16xf32, #tpu.memory_space<vmem>>, vector<10000x1xf32>
    %mul3A = vector.broadcast %get3A_11 : vector<10000x1xf32> to vector<10000x128xf32>
    %mul3A_12 = arith.mulf %add3A, %mul3A : vector<10000x128xf32>
    %get3A_13 = arith.constant 0 : index
    %get3A_14 = arith.constant 0 : index
    %get3A_15 = vector.load %arg2[%get3A_13, %get3A_14] : memref<1x128xf32, #tpu.memory_space<vmem>>, vector<1x128xf32>
    %add3A_16 = vector.broadcast %get3A_15 : vector<1x128xf32> to vector<10000x128xf32>
    %add3A_17 = arith.addf %mul3A_12, %add3A_16 : vector<10000x128xf32>
    %gt3A = arith.constant 0.000000e+00 : f32
    %gt3A_18 = vector.broadcast %gt3A : f32 to vector<10000x128xf32>
    %gt3A_19 = arith.cmpf ogt, %add3A_17, %gt3A_18 : vector<10000x128xf32>
    %exp3A = math.exp %add3A_17 : vector<10000x128xf32>
    %sub3A = arith.constant 1.000000e+00 : f32
    %sub3A_20 = vector.broadcast %sub3A : f32 to vector<10000x128xf32>
    %sub3A_21 = arith.subf %exp3A, %sub3A_20 : vector<10000x128xf32>
    %select_n3A = arith.select %gt3A_19, %add3A_17, %sub3A_21 : vector<10000x128xi1>, vector<10000x128xf32>
    %reduce_sum3A = arith.constant dense<0.000000e+00> : vector<128xf32>
    %reduce_sum3A_22 = vector.multi_reduction <add>, %select_n3A, %reduce_sum3A [0] : vector<10000x128xf32> to vector<128xf32>
    %broadcast_in_dim3A = vector.shape_cast %reduce_sum3A_22 : vector<128xf32> to vector<1x128xf32>
    %div3A = arith.constant 1.000000e+04 : f32
    %div3A_23 = vector.broadcast %div3A : f32 to vector<1x128xf32>
    %div3A_24 = arith.divf %broadcast_in_dim3A, %div3A_23 : vector<1x128xf32>
    %sub3A_25 = vector.broadcast %div3A_24 : vector<1x128xf32> to vector<10000x128xf32>
    %sub3A_26 = arith.subf %select_n3A, %sub3A_25 : vector<10000x128xf32>
    %integer_pow3A = arith.mulf %sub3A_26, %sub3A_26 : vector<10000x128xf32>
    %reduce_sum3A_27 = arith.constant dense<0.000000e+00> : vector<128xf32>
    %reduce_sum3A_28 = vector.multi_reduction <add>, %integer_pow3A, %reduce_sum3A_27 [0] : vector<10000x128xf32> to vector<128xf32>
    %broadcast_in_dim3A_29 = vector.shape_cast %reduce_sum3A_28 : vector<128xf32> to vector<1x128xf32>
    %div3A_30 = arith.constant 1.000000e+04 : f32
    %div3A_31 = vector.broadcast %div3A_30 : f32 to vector<1x128xf32>
    %div3A_32 = arith.divf %broadcast_in_dim3A_29, %div3A_31 : vector<1x128xf32>
    %sub3A_33 = vector.broadcast %div3A_24 : vector<1x128xf32> to vector<10000x128xf32>
    %sub3A_34 = arith.subf %select_n3A, %sub3A_33 : vector<10000x128xf32>
    %add3A_35 = arith.constant 9.99999974E-6 : f32
    %add3A_36 = vector.broadcast %add3A_35 : f32 to vector<1x128xf32>
    %add3A_37 = arith.addf %div3A_32, %add3A_36 : vector<1x128xf32>
    %rsqrt3A = math.rsqrt %add3A_37 : vector<1x128xf32>
    %mul3A_38 = vector.broadcast %rsqrt3A : vector<1x128xf32> to vector<10000x128xf32>
    %mul3A_39 = arith.mulf %sub3A_34, %mul3A_38 : vector<10000x128xf32>
    %get3A_40 = arith.constant 0 : index
    %get3A_41 = arith.constant 0 : index
    %get3A_42 = vector.load %arg3[%get3A_40, %get3A_41] : memref<1x128xf32, #tpu.memory_space<vmem>>, vector<1x128xf32>
    %mul3A_43 = vector.broadcast %get3A_42 : vector<1x128xf32> to vector<10000x128xf32>
    %mul3A_44 = arith.mulf %mul3A_39, %mul3A_43 : vector<10000x128xf32>
    %get3A_45 = arith.constant 0 : index
    %get3A_46 = arith.constant 0 : index
    %get3A_47 = vector.load %arg4[%get3A_45, %get3A_46] : memref<1x128xf32, #tpu.memory_space<vmem>>, vector<1x128xf32>
    %add3A_48 = vector.broadcast %get3A_47 : vector<1x128xf32> to vector<10000x128xf32>
    %add3A_49 = arith.addf %mul3A_44, %add3A_48 : vector<10000x128xf32>
    %get3A_50 = arith.constant 0 : index
    %get3A_51 = arith.constant 0 : index
    %get3A_52 = vector.load %arg5[%get3A_50, %get3A_51] : memref<128x128xf32, #tpu.memory_space<vmem>>, vector<128x128xf32>
    %dot_general3A = arith.constant dense<0.000000e+00> : vector<10000x128xf32>
    %dot_general3A_53 = tpu.matmul %add3A_49, %get3A_52, %dot_general3A {dimension_numbers = #tpu.dot_dimension_numbers<[1], [0], [0], [1], [0, 0, 1, 1], [], []>, transpose_lhs_hint = false} : vector<10000x128xf32>, vector<128x128xf32>, vector<10000x128xf32> -> vector<10000x128xf32>
    %get3A_54 = arith.constant 0 : index
    %get3A_55 = arith.constant 0 : index
    %get3A_56 = vector.load %arg1[%get3A_54, %get3A_55] : memref<10112x16xf32, #tpu.memory_space<vmem>>, vector<10000x1xf32>
    %mul3A_57 = vector.broadcast %get3A_56 : vector<10000x1xf32> to vector<10000x128xf32>
    %mul3A_58 = arith.mulf %dot_general3A_53, %mul3A_57 : vector<10000x128xf32>
    %swap3A = arith.constant 0 : index
    %swap3A_59 = arith.constant 0 : index
    %swap3A_60 = vector.load %arg6[%swap3A, %swap3A_59] : memref<10112x128xf32, #tpu.memory_space<vmem>>, vector<10000x128xf32>
    tpu.vector_store %arg6[%swap3A, %swap3A_59], %mul3A_58 {strides = array<i32>} : memref<10112x128xf32, #tpu.memory_space<vmem>>, vector<10000x128xf32>,
    %broadcast_in_dim3A_61 = arith.constant 0.000000e+00 : f32
    %broadcast_in_dim3A_62 = vector.broadcast %broadcast_in_dim3A_61 : f32 to vector<112x128xf32>
    %swap3A_63 = arith.constant 10000 : index
    %swap3A_64 = arith.constant 0 : index
    %swap3A_65 = vector.load %arg6[%swap3A_63, %swap3A_64] : memref<10112x128xf32, #tpu.memory_space<vmem>>, vector<112x128xf32>
    tpu.vector_store %arg6[%swap3A_63, %swap3A_64], %broadcast_in_dim3A_62 {strides = array<i32>} : memref<10112x128xf32, #tpu.memory_space<vmem>>, vector<112x128xf32>,
    return
  }
}

module attributes {stable_mosaic.version = 14 : i64} {
  func.func @body(%arg0: memref<2x10112x128xf32, #tpu.memory_space<vmem>>, %arg1: memref<10112x16xf32, #tpu.memory_space<vmem>>, %arg2: memref<1x128xf32, #tpu.memory_space<vmem>>, %arg3: memref<1x128xf32, #tpu.memory_space<vmem>>, %arg4: memref<1x128xf32, #tpu.memory_space<vmem>>, %arg5: memref<10000x128xf32, #tpu.memory_space<vmem>>) attributes {dimension_semantics = [], scalar_prefetch = 0 : i64, scratch_operands = 0 : i64, tpu.core_type = #tpu.core_type<tc>} {
    %get3A = arith.constant 0 : index
    %get3A_0 = arith.constant 0 : index
    %get3A_1 = arith.constant 0 : index
    %get3A_2 = vector.load %arg0[%get3A, %get3A_0, %get3A_1] : memref<2x10112x128xf32, #tpu.memory_space<vmem>>, vector<1x10000x128xf32>
    %get3A_3 = vector.shape_cast %get3A_2 : vector<1x10000x128xf32> to vector<10000x128xf32>
    %get3A_4 = arith.constant 1 : index
    %get3A_5 = arith.constant 0 : index
    %get3A_6 = arith.constant 0 : index
    %get3A_7 = vector.load %arg0[%get3A_4, %get3A_5, %get3A_6] : memref<2x10112x128xf32, #tpu.memory_space<vmem>>, vector<1x10000x128xf32>
    %get3A_8 = vector.shape_cast %get3A_7 : vector<1x10000x128xf32> to vector<10000x128xf32>
    %add3A = arith.addf %get3A_3, %get3A_8 : vector<10000x128xf32>
    %get3A_9 = arith.constant 0 : index
    %get3A_10 = arith.constant 8 : index
    %get3A_11 = vector.load %arg1[%get3A_9, %get3A_10] : memref<10112x16xf32, #tpu.memory_space<vmem>>, vector<10000x1xf32>
    %mul3A = vector.broadcast %get3A_11 : vector<10000x1xf32> to vector<10000x128xf32>
    %mul3A_12 = arith.mulf %add3A, %mul3A : vector<10000x128xf32>
    %get3A_13 = arith.constant 0 : index
    %get3A_14 = arith.constant 0 : index
    %get3A_15 = vector.load %arg2[%get3A_13, %get3A_14] : memref<1x128xf32, #tpu.memory_space<vmem>>, vector<1x128xf32>
    %add3A_16 = vector.broadcast %get3A_15 : vector<1x128xf32> to vector<10000x128xf32>
    %add3A_17 = arith.addf %mul3A_12, %add3A_16 : vector<10000x128xf32>
    %gt3A = arith.constant 0.000000e+00 : f32
    %gt3A_18 = vector.broadcast %gt3A : f32 to vector<10000x128xf32>
    %gt3A_19 = arith.cmpf ogt, %add3A_17, %gt3A_18 : vector<10000x128xf32>
    %exp3A = math.exp %add3A_17 : vector<10000x128xf32>
    %sub3A = arith.constant 1.000000e+00 : f32
    %sub3A_20 = vector.broadcast %sub3A : f32 to vector<10000x128xf32>
    %sub3A_21 = arith.subf %exp3A, %sub3A_20 : vector<10000x128xf32>
    %select_n3A = arith.select %gt3A_19, %add3A_17, %sub3A_21 : vector<10000x128xi1>, vector<10000x128xf32>
    %reduce_sum3A = arith.constant dense<0.000000e+00> : vector<128xf32>
    %reduce_sum3A_22 = vector.multi_reduction <add>, %select_n3A, %reduce_sum3A [0] : vector<10000x128xf32> to vector<128xf32>
    %broadcast_in_dim3A = vector.shape_cast %reduce_sum3A_22 : vector<128xf32> to vector<1x128xf32>
    %div3A = arith.constant 1.000000e+04 : f32
    %div3A_23 = vector.broadcast %div3A : f32 to vector<1x128xf32>
    %div3A_24 = arith.divf %broadcast_in_dim3A, %div3A_23 : vector<1x128xf32>
    %sub3A_25 = vector.broadcast %div3A_24 : vector<1x128xf32> to vector<10000x128xf32>
    %sub3A_26 = arith.subf %select_n3A, %sub3A_25 : vector<10000x128xf32>
    %integer_pow3A = arith.mulf %sub3A_26, %sub3A_26 : vector<10000x128xf32>
    %reduce_sum3A_27 = arith.constant dense<0.000000e+00> : vector<128xf32>
    %reduce_sum3A_28 = vector.multi_reduction <add>, %integer_pow3A, %reduce_sum3A_27 [0] : vector<10000x128xf32> to vector<128xf32>
    %broadcast_in_dim3A_29 = vector.shape_cast %reduce_sum3A_28 : vector<128xf32> to vector<1x128xf32>
    %div3A_30 = arith.constant 1.000000e+04 : f32
    %div3A_31 = vector.broadcast %div3A_30 : f32 to vector<1x128xf32>
    %div3A_32 = arith.divf %broadcast_in_dim3A_29, %div3A_31 : vector<1x128xf32>
    %sub3A_33 = vector.broadcast %div3A_24 : vector<1x128xf32> to vector<10000x128xf32>
    %sub3A_34 = arith.subf %select_n3A, %sub3A_33 : vector<10000x128xf32>
    %add3A_35 = arith.constant 9.99999974E-6 : f32
    %add3A_36 = vector.broadcast %add3A_35 : f32 to vector<1x128xf32>
    %add3A_37 = arith.addf %div3A_32, %add3A_36 : vector<1x128xf32>
    %rsqrt3A = math.rsqrt %add3A_37 : vector<1x128xf32>
    %mul3A_38 = vector.broadcast %rsqrt3A : vector<1x128xf32> to vector<10000x128xf32>
    %mul3A_39 = arith.mulf %sub3A_34, %mul3A_38 : vector<10000x128xf32>
    %get3A_40 = arith.constant 0 : index
    %get3A_41 = arith.constant 0 : index
    %get3A_42 = vector.load %arg3[%get3A_40, %get3A_41] : memref<1x128xf32, #tpu.memory_space<vmem>>, vector<1x128xf32>
    %mul3A_43 = vector.broadcast %get3A_42 : vector<1x128xf32> to vector<10000x128xf32>
    %mul3A_44 = arith.mulf %mul3A_39, %mul3A_43 : vector<10000x128xf32>
    %get3A_45 = arith.constant 0 : index
    %get3A_46 = arith.constant 0 : index
    %get3A_47 = vector.load %arg4[%get3A_45, %get3A_46] : memref<1x128xf32, #tpu.memory_space<vmem>>, vector<1x128xf32>
    %add3A_48 = vector.broadcast %get3A_47 : vector<1x128xf32> to vector<10000x128xf32>
    %add3A_49 = arith.addf %mul3A_44, %add3A_48 : vector<10000x128xf32>
    %swap3A = arith.constant 0 : index
    %swap3A_50 = arith.constant 0 : index
    %swap3A_51 = vector.load %arg5[%swap3A, %swap3A_50] : memref<10000x128xf32, #tpu.memory_space<vmem>>, vector<10000x128xf32>
    tpu.vector_store %arg5[%swap3A, %swap3A_50], %add3A_49 {strides = array<i32>} : memref<10000x128xf32, #tpu.memory_space<vmem>>, vector<10000x128xf32>,
    return
  }
}

</mosaic_0001>

<sc_bundles>
// kernel: kernel.11.cloned.1.call-start
scs
__scs_entry_jumppad:
0x0: {  	(pc) =	sbr.rel $0x88, $3  }
0x1: {  	(tag) =	ssettag $0x0;
	lr =	simm.s32 $0x1  }
0x2: {  	[smem:$0x3F97] =	sst lr;
	_ =	strace $0xD0000000  }
0x3: {  	_ = 	snop  }
0x4: {  	_ = 	snop  }
0x5: {  	_ = 	snop  }
0x6: {  	_ = 	snop  }
0x7: {  	_ = 	snop  }
__scs_overlays_trampoline_lowered:
0x8: {  	[smem:$0x3FA6] =	sst s0  }
0x9: {  	[smem:$0x3FA7] =	sst s1  }
0xa: {  	[smem:$0x3FA8] =	sst s2  }
0xb: {  	[smem:$0x3FA9] =	sst s3  }
0xc: {  	[smem:$0x3FAA] =	sst s4  }
0xd: {  	[smem:$0x3FAB] =	sst s5  }
0xe: {  	[smem:$0x3FAC] =	sst s6  }
0xf: {  	[smem:$0x3FAD] =	sst s7  }
0x10: {  	[smem:$0x3FAE] =	sst s8  }
0x11: {  	[smem:$0x3FAF] =	sst s9;
	s0 =	simm.s32 @!p0 $0x0  }
0x12: {  	s1 =	sld [smem:$0x3F95];
	s0 =	simm.s32 @p0 $0x1  }
0x13: {  	[smem:$0x3FB0] =	sst s0;
	s0 =	simm.s32 @!p1 $0x0  }
0x14: {  	s2 =	sld [smem:$0x3F94];
	s0 =	simm.s32 @p1 $0x1  }
0x15: {  	[smem:$0x3FB1] =	sst s0;
	s0 =	simm.s32 @!p2 $0x0  }
0x16: {  	s3 =	sld [smem:$0x3FDB];
	s0 =	simm.s32 @p2 $0x1  }
0x17: {  	s4 =	simm.s32 $0x1BF5;
	[smem:$0x3FB3] =	sst s0  }
0x18: {  	s0 =	sld [smem:$0x3F96];
	_ =	swait.ge [sflag:s4], $0x0  }
0x19: {  	s7 =	sld [smem:$0x3F97]  }
0x1a: {  	s8 =	sadd.s32 $0xFFFFE003, lr  }
0x1b: {  	s9 =	sadd.s32 $0xFFFFFEF7, lr;
	s5 =	simm.s32 $0xFFFFFFFF;
	p2 =	slt.u32 s8, $0xFFFFF086  }
0x1c: {  	p1 =	slt.u32 s9, $0xF7A;
	s5 =	simm.s32 @!p2 $0x0  }
0x1d: {  	s5 =	simm.s32 @p1 $0x1;
	p0 =	seq.s32 s7, s2  }
0x1e: {  	s7 =	smul.u32 @!p0 $0xF7A, s2;
	p2 =	seq.s32 @!p0 s5, $0x0  }
0x1f: {  	s9 =	smul.u32 $0xF7A, s1;
	s8 =	simm.s32 @!p0 $0x1BF5;
	p2 =	por !p2, p0  }
0x20: {  	[sflag:s8] =	ssyncset.s32 @!p0 $0xFFFFF086;
	s6 =	sadd.s32 @!p0 s3, s7;
	s7 =	simm.s32 @!p0 $0x108  }
0x21: {  	s3 =	sadd.s32 s3, s9;
	s6 =	sadd.s32 @!p0 $0x88, s6;
	s7 =	simm.s32 @p2 $0x1082  }
0x22: {  	[simem:s7], [sflag:s8] =	dma.local @!p0 [hbm:s6], $0xF7A  }
0x23: {  	s9 =	sor.u32 $0xD0000000, s2;
	s6 =	simm.s32 $0x108;
	_ =	swait.ge @!p0 [sflag:s8], $0x0  }
0x24: {  	s3 =	sadd.s32 $0x88, s3;
	s6 =	simm.s32 @!p1 $0x1082;
	[sflag:s4] =	ssyncset.s32 $0xFFFFF086  }
0x25: {  	[simem:s6], [sflag:s4] =	dma.local [hbm:s3], $0xF7A  }
0x26: {  	[smem:$0x3F97] =	sst s1;
	(tag) =	ssettag s2;
	_ =	strace s9  }
0x27: {  	s1 =	sld [smem:$0x3FA7]  }
0x28: {  	s2 =	sld [smem:$0x3FA8]  }
0x29: {  	s4 =	sld [smem:$0x3FAA]  }
0x2a: {  	p0 =	seq.s32 s5, $0x0;
	s5 =	sld [smem:$0x3FAB]  }
0x2b: {  	s6 =	sld [smem:$0x3FAC]  }
0x2c: {  	s7 =	sld [smem:$0x3FAD]  }
0x2d: {  	s3 =	simm.s32 $0x108;
	s8 =	sld [smem:$0x3FAE]  }
0x2e: {  	s3 =	simm.s32 @!p0 $0x1082;
	s9 =	sld [smem:$0x3FAF]  }
0x2f: {  	lr =	sadd.s32 s0, s3;
	s0 =	sld [smem:$0x3FA6]  }
0x30: {  	s3 =	sld [smem:$0x3FA9]  }
0x31: {  	[smem:$0x3FB2] =	sst s10  }
0x32: {  	s10 =	sld [smem:$0x3FB0];
	_ =	sdelay $0x3  }
0x33: {  	p0 =	seq.s32 s10, $0x1;
	s10 =	sld [smem:$0x3FB2];
	_ =	sdelay $0x3  }
0x34: {  	[smem:$0x3FB2] =	sst s10  }
0x35: {  	s10 =	sld [smem:$0x3FB1];
	_ =	sdelay $0x3  }
0x36: {  	p1 =	seq.s32 s10, $0x1;
	s10 =	sld [smem:$0x3FB2];
	_ =	sdelay $0x3  }
0x37: {  	[smem:$0x3FB2] =	sst s10  }
0x38: {  	s10 =	sld [smem:$0x3FB3]  }
0x39: {  	_ = 	snop;
	(pc) =	sbr.ind lr, $3  }
0x3a: {  	_ = 	snop  }
0x3b: {  	_ = 	snop  }
0x3c: {  	p2 =	seq.s32 s10, $0x1;
	s10 =	sld [smem:$0x3FB2]  }
0x3d: {  	_ =	shalt  }
0x3e: {  	_ =	shalt  }
0x3f: {  	_ =	shalt  }
0x40: {  	_ =	shalt  }
0x41: {  	_ =	shalt  }
0x42: {  	_ =	shalt  }
0x43: {  	_ =	shalt  }
0x44: {  	_ =	shalt  }
0x45: {  	_ =	shalt  }
0x46: {  	_ =	shalt  }
0x47: {  	_ =	shalt  }
0x48: {  	_ =	shalt  }
0x49: {  	_ =	shalt  }
0x4a: {  	_ =	shalt  }
0x4b: {  	_ =	shalt  }
0x4c: {  	_ =	shalt  }
0x4d: {  	_ =	shalt  }
0x4e: {  	_ =	shalt  }
0x4f: {  	_ =	shalt  }
0x50: {  	_ =	shalt  }
0x51: {  	_ =	shalt  }
0x52: {  	_ =	shalt  }
0x53: {  	_ =	shalt  }
0x54: {  	_ =	shalt  }
0x55: {  	_ =	shalt  }
0x56: {  	_ =	shalt  }
0x57: {  	_ =	shalt  }
0x58: {  	_ =	shalt  }
0x59: {  	_ =	shalt  }
0x5a: {  	_ =	shalt  }
0x5b: {  	_ =	shalt  }
0x5c: {  	_ =	shalt  }
0x5d: {  	_ =	shalt  }
0x5e: {  	_ =	shalt  }
0x5f: {  	_ =	shalt  }
0x60: {  	_ =	shalt  }
0x61: {  	_ =	shalt  }
0x62: {  	_ =	shalt  }
0x63: {  	_ =	shalt  }
0x64: {  	_ =	shalt  }
0x65: {  	_ =	shalt  }
0x66: {  	_ =	shalt  }
0x67: {  	_ =	shalt  }
0x68: {  	_ =	shalt  }
0x69: {  	_ =	shalt  }
0x6a: {  	_ =	shalt  }
0x6b: {  	_ =	shalt  }
0x6c: {  	_ =	shalt  }
0x6d: {  	_ =	shalt  }
0x6e: {  	_ =	shalt  }
0x6f: {  	_ =	shalt  }
0x70: {  	_ =	shalt  }
0x71: {  	_ =	shalt  }
0x72: {  	_ =	shalt  }
0x73: {  	_ =	shalt  }
0x74: {  	_ =	shalt  }
0x75: {  	_ =	shalt  }
0x76: {  	_ =	shalt  }
0x77: {  	_ =	shalt  }
0x78: {  	_ =	shalt  }
0x79: {  	_ =	shalt  }
0x7a: {  	_ =	shalt  }
0x7b: {  	_ =	shalt  }
0x7c: {  	_ =	shalt  }
0x7d: {  	_ =	shalt  }
0x7e: {  	_ =	shalt  }
0x7f: {  	_ =	shalt  }
0x80: {  	_ =	shalt  }
0x81: {  	_ =	shalt  }
0x82: {  	_ =	shalt  }
0x83: {  	_ =	shalt  }
0x84: {  	_ =	shalt  }
0x85: {  	_ =	shalt  }
0x86: {  	_ =	shalt  }
0x87: {  	_ =	shalt  }
.Lfunc_end0:
.L_simem_size_0:
called_computation.1_lowered:
.L_overlay_start_0:
0x88: {  	s2 =	sld [smem:$0x3FD9]  }
0x89: {  	s3 =	sld [smem:$0x3FFE];
	_ =	sdelay $0x1  }
0x8a: {  	s1 =	srdreg.scid  }
0x8b: {  	s0 =	sand.u32 $0x1, s1  }
0x8c: {  	s17 =	sshll.u32 s0, $0xA;
	s2 =	sadd.s32 s3, s2  }
0x8d: {  	s2 =	sadd.s32 s2, s17  }
0x8e: {  	[smem:$0x3FBE] =	sst s2  }
0x8f: {  	_ = 	snop  }
0x90: {  	s2 =	sld [smem:$0x3FD0];
	(tm) =	ssettm $0x1  }
0x91: {  	s18 =	sld [smem:$0x3FFB];
	_ =	sdelay $0x3  }
0x92: {  	_ =	strace s18  }
0x93: {  	s3 =	sld [smem:$0x3FFC];
	_ =	sdelay $0x3  }
0x94: {  	_ =	strace s3  }
0x95: {  	s3 =	sld [smem:$0x3FFD];
	_ =	sdelay $0x3  }
0x96: {  	_ =	strace s3  }
0x97: {  	_ =	strace $0x8FFFFFFF  }
0x98: {  	s19 =	sld [smem:$0x3FDB];
	_ =	sdelay $0x1  }
0x99: {  	s4 =	simm.s32 $_scs_section_size  }
0x9a: {  	s5 =	simm.s32 $_size__tile_overlayer_lowered;
	s6 =	simm.s32 $_tile_overlayer_lowered  }
0x9b: {  	s22 =	simm.s32 $0x1BFF;
	s21 =	sshll.u32 s6, $0x1;
	s3 =	sadd.s32 s4, s19  }
0x9c: {  	s7 =	simm.s32 $0x0;
	s20 =	sshll.u32 s5, $0x1;
	s5 =	sadd.s32 s21, s3  }
0x9d: {  	[timem:s7], [sflag:s22] =	dma.local [hbm:s5], s20  }
0x9e: {  	_ =	swait.ge [sflag:s22], s20  }
0x9f: {  	s4 =	ssub.s32 $0x0, s20;
	[sflag:s22] =	ssyncset.done $0x0  }
0xa0: {  	[sflag:s22] =	ssyncadd.s32 s4;
	_ =	sdelay $0x1  }
0xa1: {  	s23 =	simm.s32 $0x1B8B  }
0xa2: {  	_ =	swait.ge [sflag:s23], $0x1  }
0xa3: {  	[sflag:s23] =	ssyncset.done $0x0  }
0xa4: {  	s25 =	simm.s32 $0x1B8E;
	s24 =	sld [smem:$0x3FFE];
	[sflag:s23] =	ssyncadd.s32 $0xFFFFFFFF  }
0xa5: {  	s26 =	simm.s32 $execute0_lowered;
	[smem:$0x3FD2] =	sst s25  }
0xa6: {  	s5 =	sshll.u32 s26, $0x1;
	_ =	strace $0x80000049;
	[dreg:$0x1] =	wrdreg $0xFFFFFFFF  }
0xa7: {  	s28 =	simm.s32 $_size_execute0_lowered;
	s3 =	sadd.s32 s3, s5;
	[dreg:$0x0] =	wrdreg $0x0  }
0xa8: {  	s5 =	sshll.u32 s28, $0x1;
	[dreg:$0x2] =	wrdreg s3  }
0xa9: {  	[dreg:$0x3] =	wrdreg s5  }
0xaa: {  	[dreg:$0x4] =	wrdreg $0xC0  }
0xab: {  	_ =	task [dreg:s7], $0x5FFFF  }
0xac: {  	[dreg:$0x1] =	wrdreg $0xFFFFFFFF  }
0xad: {  	[dreg:$0x0] =	wrdreg $0x60  }
0xae: {  	[dreg:$0x2] =	wrdreg s24  }
0xaf: {  	[dreg:$0x3] =	wrdreg s2  }
0xb0: {  	[dreg:$0x4] =	wrdreg $0xA8000  }
0xb1: {  	[dreg:$0x5] =	wrdreg $0x9  }
0xb2: {  	_ =	task.clear_ibuf [dreg:s7], $0x6FFFF;
	_ =	strace $0x90000049  }
0xb3: {  	s29 =	simm.s32 $0x9;
	_ =	strace $0x8000004B  }
0xb4: {  	_ =	swait.ge [sflag:s29], $0x1  }
0xb5: {  	[sflag:s29] =	ssyncadd.s32 $0xFFFFFFFF  }
0xb6: {  	_ =	strace $0x9000004B  }
0xb7: {  	_ =	sfence  }
0xb8: {  	s30 =	sld [smem:$0x0];
	_ =	sdelay $0x2  }
0xb9: {  	s31 =	sshll.u32 s1, $0xD;
	s1 =	sshrl.u32 s1, $0x2  }
0xba: {  	s3 =	sand.u32 $0x4000, s31;
	s1 =	sadd.s32 s1, s30  }
0xbb: {  	s0 =	sor.u32 s3, s0;
	s1 =	sshll.u32 s1, $0x11  }
0xbc: {  	s0 =	sor.u32 s1, s0  }
0xbd: {  	s0 =	sadd.s32 $0x8F2B, s0  }
0xbe: {  	[sflag:s0] =	ssyncadd.remote.s32 $0x1  }
0xbf: {  	_ =	sfence.sel $0xFFFF  }
0xc0: {  	[dreg:$0x0] =	wrdreg $0xFFFFFFFF;
	(pc) =	sbr.abs _section_cstart, $3  }
0xc1: {  	[dreg:$0x1] =	wrdreg $0xFFFFFFFF  }
0xc2: {  	_ =	task.clear_ibuf [dreg:s7], $0x2FFFF;
	_ =	strace $0x9FFFFFFF  }
0xc3: {  	(tm) =	ssettm $0x7FFFFFFF  }
tec
execute0_lowered:
.L_overlay_start_1:
0x0: {  	(tag) =	ssettag $0x1  }
0x1: {  	s6 =	rddreg [dreg:$0x0]  }
0x2: {  	s1 =	rddreg [dreg:$0x1]  }
0x3: {  	s2 =	rddreg [dreg:$0x2];
	s3 =	srdreg.scid  }
0x4: {  	s0 =	rddreg [dreg:$0x3];
	s4 =	simm.s32 $0x0;
	s16 =	simm.s32 $0x80  }
0x5: {  	s17 =	simm.s32 $0x2800;
	s18 =	simm.s32 $0x1;
	s19 =	simm.s32 $0x6800  }
0x6: {  	s20 =	simm.s32 $0x2;
	s21 =	simm.s32 $0x1380;
	s22 =	simm.s32 $0x2700  }
0x7: {  	s23 =	simm.s32 $0x2780;
	s24 =	simm.s32 $0x0;
	s7 =	sand.u32 $0x1, s3  }
0x8: {  	s3 =	stileid.u32;
	[smem:$0x7FF] =	sst s4;
	s5 =	sadd.s32 $0x16C00, s6  }
0x9: {  	s10 =	sadd.s32 $0x2C00, s6;
	s13 =	sadd.s32 $0xCC00, s6;
	s8 =	smul.u32 $0x13C000, s7  }
0xa: {  	s9 =	smul.u32 $0x13C00, s3;
	_ =	strace $0x8000004A;
	s26 =	sshll.u32 s7, $0x4  }
0xb: {  	s7 =	ssub.s32 $0x2, s7;
	s11 =	smul.u32 $0x4F000, s3;
	s29 =	sshll.u32 s3, $0x6  }
0xc: {  	s12 =	sshrl.u32 s7, $0x1;
	s8 =	sadd.s32 s9, s8;
	s9 =	sor.u32 s3, s26  }
0xd: {  	s12 =	ssub.s32 s7, s12;
	s28 =	sshrl.u32 s11, $0x2;
	s9 =	smul.u32 $0x2800, s9  }
0xe: {  	s8 =	sshrl.u32 s8, $0x3;
	s15 =	sadd.s32 s28, s2;
	s12 =	smax.u32 s12, $0x1  }
0xf: {  	s14 =	sadd.s32 s8, s6;
	s6 =	sor.u32 $0x1C03, s29;
	s30 =	sshrl.u32 s9, $0x3  }
0x10: {  	s11 =	sadd.s32 $0x3E400, s14;
	s14 =	simm.s32 $0x3;
	s31 =	sadd.s32 $0x280, s30  }
0x11: {  	s7 =	sadd.s32 s10, s30;
	s8 =	sadd.s32 s13, s30;
	s9 =	sadd.s32 s10, s31  }
0x12: {  	s10 =	sadd.s32 s13, s31;
	s13 =	sshrl.u32 s15, $0x3;
	s15 =	simm.s32 $0x1400  }
.LBB2_1:
0x13: {  	[spmem:s13], [sflag:s6] =	dma.local [hbm:s1], $0x2780  }
0x14: {  	_ =	swait.ge [sflag:s14], $0x2780  }
0x15: {  	[sflag:s14] =	ssyncset.done $0x0  }
0x16: {  	[sflag:s14] =	ssyncadd.s32 $0xFFFFD880  }
0x17: {  	[bflag:$0x0] =	sbarrier.arrive $0xFFFF  }
0x18: {  	[tilespmem:s4], [sflag:$0x3] =	stream.linear.gather [hbm4b:s7+s4], $0x1400, $0x38;
	[tilespmem:$0x1E400] =	vst v63  }
0x19: {  	_ =	swait.ge [sflag:s14], $0x1400  }
0x1a: {  	[sflag:s14] =	ssyncset.done $0x0  }
0x1b: {  	[sflag:s14] =	ssyncadd.s32 $0xFFFFEC00  }
0x1c: {  	[tilespmem:s15], [sflag:$0x3] =	stream.linear.gather [hbm4b:s8+s4], $0x1400, $0x38;
	[tilespmem:$0x1E400] =	vst v63  }
0x1d: {  	_ =	swait.ge [sflag:s14], $0x1400  }
0x1e: {  	[sflag:s14] =	ssyncset.done $0x0  }
0x1f: {  	[sflag:s14] =	ssyncadd.s32 $0xFFFFEC00  }
0x20: {  	[tilespmem:s17], [sflag:$0x1] =	stream.indirect.gather [hbm4b:s5+s16], $0x80, s4, s16, $0xb8;
	[tilespmem:$0x1E400] =	vst v63  }
0x21: {  	_ =	swait.ge [sflag:s18], $0x4000  }
0x22: {  	[sflag:s18] =	ssyncset.done $0x0  }
0x23: {  	s25 =	simm.s32 $0x80;
	[sflag:s18] =	ssyncadd.s32 $0xFFFFC000  }
0x24: {  	[tilespmem:s19], [sflag:$0x2] =	stream.indirect.gather [hbm4b:s5+s16], $0x80, s25, s16, $0xb8;
	[tilespmem:$0x1E400] =	vst v63  }
0x25: {  	s29 =	simm.s32 $0x1400  }
0x26: {  	[spmem:s2] =	stream.indirect.scatter.add.f32 [tilespmem:s17], [sflag:$0x3], $0x80, s29, s16, $0xb8;
	[tilespmem:$0x1E400] =	vst v63  }
0x27: {  	_ =	swait.ge [sflag:s14], $0x4000  }
0x28: {  	[sflag:s14] =	ssyncset.done $0x0  }
0x29: {  	[sflag:s14] =	ssyncadd.s32 $0xFFFFC000  }
0x2a: {  	_ =	swait.ge [sflag:s20], $0x4000  }
0x2b: {  	[sflag:s20] =	ssyncset.done $0x0  }
0x2c: {  	s30 =	simm.s32 $0x100;
	[sflag:s20] =	ssyncadd.s32 $0xFFFFC000  }
0x2d: {  	[tilespmem:s17], [sflag:$0x1] =	stream.indirect.gather [hbm4b:s5+s16], $0x80, s30, s16, $0xb8;
	[tilespmem:$0x1E400] =	vst v63  }
0x2e: {  	s31 =	simm.s32 $0x1480  }
0x2f: {  	[spmem:s2] =	stream.indirect.scatter.add.f32 [tilespmem:s19], [sflag:$0x3], $0x80, s31, s16, $0xb8;
	[tilespmem:$0x1E400] =	vst v63  }
0x30: {  	_ =	swait.ge [sflag:s14], $0x4000  }
0x31: {  	s25 =	simm.s32 $0x400;
	[sflag:s14] =	ssyncset.done $0x0  }
.LBB2_2:
0x32: {  	p0 =	sne.s32 s25, $0x4800  }
0x33: {  	[sflag:s14] =	ssyncadd.s32 $0xFFFFC000;
	s26 =	smov.u32 s25;
	s25 =	sadd.s32 $0x400, s25  }
0x34: {  	_ = 	snop  }
0x35: {  	_ =	swait.ge [sflag:s18], $0x4000  }
0x36: {  	s26 =	sshra.s32 s26, $0x2;
	[sflag:s18] =	ssyncset.done $0x0  }
0x37: {  	s28 =	sadd.s32 $0x80, s26;
	[sflag:s18] =	ssyncadd.s32 $0xFFFFC000  }
0x38: {  	[tilespmem:s19], [sflag:$0x2] =	stream.indirect.gather [hbm4b:s5+s16], $0x80, s28, s16, $0xb8;
	[tilespmem:$0x1E400] =	vst v63  }
0x39: {  	s28 =	sadd.s32 $0x1400, s26  }
0x3a: {  	[spmem:s2] =	stream.indirect.scatter.add.f32 [tilespmem:s17], [sflag:$0x3], $0x80, s28, s16, $0xb8;
	[tilespmem:$0x1E400] =	vst v63  }
0x3b: {  	_ =	swait.ge [sflag:s14], $0x4000  }
0x3c: {  	[sflag:s14] =	ssyncset.done $0x0  }
0x3d: {  	[sflag:s14] =	ssyncadd.s32 $0xFFFFC000  }
0x3e: {  	_ =	swait.ge [sflag:s20], $0x4000  }
0x3f: {  	[sflag:s20] =	ssyncset.done $0x0  }
0x40: {  	s28 =	sadd.s32 $0x100, s26;
	[sflag:s20] =	ssyncadd.s32 $0xFFFFC000  }
0x41: {  	[tilespmem:s17], [sflag:$0x1] =	stream.indirect.gather [hbm4b:s5+s16], $0x80, s28, s16, $0xb8;
	[tilespmem:$0x1E400] =	vst v63  }
.Ltmp0:
0x42: {  	_ = 	snop;
	(pc) =	sbr.rel @p0 .LBB2_2-.Ltmp0, $4  }
0x43: {  	s26 =	sadd.s32 $0x1480, s26  }
0x44: {  	[spmem:s2] =	stream.indirect.scatter.add.f32 [tilespmem:s19], [sflag:$0x3], $0x80, s26, s16, $0xb8;
	[tilespmem:$0x1E400] =	vst v63  }
0x45: {  	_ =	swait.ge [sflag:s14], $0x4000  }
0x46: {  	[sflag:s14] =	ssyncset.done $0x0  }
0x47: {  	[sflag:s14] =	ssyncadd.s32 $0xFFFFC000  }
0x48: {  	_ =	swait.ge [sflag:s18], $0x4000  }
0x49: {  	[sflag:s18] =	ssyncset.done $0x0  }
0x4a: {  	[sflag:s18] =	ssyncadd.s32 $0xFFFFC000  }
0x4b: {  	[tilespmem:s19], [sflag:$0x2] =	stream.indirect.gather [hbm4b:s5+s16], $0x80, s21, s16, $0xb8;
	[tilespmem:$0x1E400] =	vst v63  }
0x4c: {  	_ = 	snop  }
0x4d: {  	[spmem:s2] =	stream.indirect.scatter.add.f32 [tilespmem:s17], [sflag:$0x3], $0x80, s22, s16, $0xb8;
	[tilespmem:$0x1E400] =	vst v63  }
0x4e: {  	_ =	swait.ge [sflag:s14], $0x4000  }
0x4f: {  	[sflag:s14] =	ssyncset.done $0x0  }
0x50: {  	[sflag:s14] =	ssyncadd.s32 $0xFFFFC000  }
0x51: {  	_ =	swait.ge [sflag:s20], $0x4000  }
0x52: {  	[sflag:s20] =	ssyncset.done $0x0  }
0x53: {  	[sflag:s20] =	ssyncadd.s32 $0xFFFFC000  }
0x54: {  	[spmem:s2] =	stream.indirect.scatter.add.f32 [tilespmem:s19], [sflag:$0x3], $0x80, s23, s16, $0xb8;
	[tilespmem:$0x1E400] =	vst v63  }
0x55: {  	_ =	swait.ge [sflag:s14], $0x4000  }
0x56: {  	[sflag:s14] =	ssyncset.done $0x0  }
0x57: {  	s25 =	simm.s32 $0x0;
	[sflag:s14] =	ssyncadd.s32 $0xFFFFC000  }
0x58: {  	[tilespmem:s25], [sflag:$0x3] =	stream.linear.gather [hbm4b:s9+s25], $0x1400, $0x38;
	[tilespmem:$0x1E400] =	vst v63  }
0x59: {  	_ =	swait.ge [sflag:s14], $0x1400  }
0x5a: {  	[sflag:s14] =	ssyncset.done $0x0  }
0x5b: {  	[sflag:s14] =	ssyncadd.s32 $0xFFFFEC00  }
0x5c: {  	[tilespmem:s15], [sflag:$0x3] =	stream.linear.gather [hbm4b:s10+s25], $0x1400, $0x38;
	[tilespmem:$0x1E400] =	vst v63  }
0x5d: {  	_ =	swait.ge [sflag:s14], $0x1400  }
0x5e: {  	[sflag:s14] =	ssyncset.done $0x0  }
0x5f: {  	[sflag:s14] =	ssyncadd.s32 $0xFFFFEC00  }
0x60: {  	[tilespmem:s17], [sflag:$0x1] =	stream.indirect.gather [hbm4b:s5+s16], $0x80, s25, s16, $0xb8;
	[tilespmem:$0x1E400] =	vst v63  }
0x61: {  	_ =	swait.ge [sflag:s18], $0x4000  }
0x62: {  	[sflag:s18] =	ssyncset.done $0x0  }
0x63: {  	s28 =	simm.s32 $0x80;
	[sflag:s18] =	ssyncadd.s32 $0xFFFFC000  }
0x64: {  	[tilespmem:s19], [sflag:$0x2] =	stream.indirect.gather [hbm4b:s5+s16], $0x80, s28, s16, $0xb8;
	[tilespmem:$0x1E400] =	vst v63  }
0x65: {  	s29 =	simm.s32 $0x1400  }
0x66: {  	[spmem:s2] =	stream.indirect.scatter.add.f32 [tilespmem:s17], [sflag:$0x3], $0x80, s29, s16, $0xb8;
	[tilespmem:$0x1E400] =	vst v63  }
0x67: {  	_ =	swait.ge [sflag:s14], $0x4000  }
0x68: {  	[sflag:s14] =	ssyncset.done $0x0  }
0x69: {  	[sflag:s14] =	ssyncadd.s32 $0xFFFFC000  }
0x6a: {  	_ =	swait.ge [sflag:s20], $0x4000  }
0x6b: {  	[sflag:s20] =	ssyncset.done $0x0  }
0x6c: {  	s30 =	simm.s32 $0x100;
	[sflag:s20] =	ssyncadd.s32 $0xFFFFC000  }
0x6d: {  	[tilespmem:s17], [sflag:$0x1] =	stream.indirect.gather [hbm4b:s5+s16], $0x80, s30, s16, $0xb8;
	[tilespmem:$0x1E400] =	vst v63  }
0x6e: {  	s31 =	simm.s32 $0x1480  }
0x6f: {  	[spmem:s2] =	stream.indirect.scatter.add.f32 [tilespmem:s19], [sflag:$0x3], $0x80, s31, s16, $0xb8;
	[tilespmem:$0x1E400] =	vst v63  }
0x70: {  	_ =	swait.ge [sflag:s14], $0x4000  }
0x71: {  	s25 =	simm.s32 $0x400;
	[sflag:s14] =	ssyncset.done $0x0  }
.LBB2_4:
0x72: {  	p0 =	sne.s32 s25, $0x4800  }
0x73: {  	[sflag:s14] =	ssyncadd.s32 $0xFFFFC000;
	s26 =	smov.u32 s25;
	s25 =	sadd.s32 $0x400, s25  }
0x74: {  	_ = 	snop  }
0x75: {  	_ =	swait.ge [sflag:s18], $0x4000  }
0x76: {  	s26 =	sshra.s32 s26, $0x2;
	[sflag:s18] =	ssyncset.done $0x0  }
0x77: {  	s28 =	sadd.s32 $0x80, s26;
	[sflag:s18] =	ssyncadd.s32 $0xFFFFC000  }
0x78: {  	[tilespmem:s19], [sflag:$0x2] =	stream.indirect.gather [hbm4b:s5+s16], $0x80, s28, s16, $0xb8;
	[tilespmem:$0x1E400] =	vst v63  }
0x79: {  	s28 =	sadd.s32 $0x1400, s26  }
0x7a: {  	[spmem:s2] =	stream.indirect.scatter.add.f32 [tilespmem:s17], [sflag:$0x3], $0x80, s28, s16, $0xb8;
	[tilespmem:$0x1E400] =	vst v63  }
0x7b: {  	_ =	swait.ge [sflag:s14], $0x4000  }
0x7c: {  	[sflag:s14] =	ssyncset.done $0x0  }
0x7d: {  	[sflag:s14] =	ssyncadd.s32 $0xFFFFC000  }
0x7e: {  	_ =	swait.ge [sflag:s20], $0x4000  }
0x7f: {  	[sflag:s20] =	ssyncset.done $0x0  }
0x80: {  	s28 =	sadd.s32 $0x100, s26;
	[sflag:s20] =	ssyncadd.s32 $0xFFFFC000  }
0x81: {  	[tilespmem:s17], [sflag:$0x1] =	stream.indirect.gather [hbm4b:s5+s16], $0x80, s28, s16, $0xb8;
	[tilespmem:$0x1E400] =	vst v63  }
.Ltmp1:
0x82: {  	_ = 	snop;
	(pc) =	sbr.rel @p0 .LBB2_4-.Ltmp1, $4  }
0x83: {  	s26 =	sadd.s32 $0x1480, s26  }
0x84: {  	[spmem:s2] =	stream.indirect.scatter.add.f32 [tilespmem:s19], [sflag:$0x3], $0x80, s26, s16, $0xb8;
	[tilespmem:$0x1E400] =	vst v63  }
0x85: {  	_ =	swait.ge [sflag:s14], $0x4000  }
0x86: {  	[sflag:s14] =	ssyncset.done $0x0  }
0x87: {  	[sflag:s14] =	ssyncadd.s32 $0xFFFFC000  }
0x88: {  	_ =	swait.ge [sflag:s18], $0x4000  }
0x89: {  	[sflag:s18] =	ssyncset.done $0x0  }
0x8a: {  	[sflag:s18] =	ssyncadd.s32 $0xFFFFC000  }
0x8b: {  	[tilespmem:s19], [sflag:$0x2] =	stream.indirect.gather [hbm4b:s5+s16], $0x80, s21, s16, $0xb8;
	[tilespmem:$0x1E400] =	vst v63  }
0x8c: {  	_ = 	snop  }
0x8d: {  	[spmem:s2] =	stream.indirect.scatter.add.f32 [tilespmem:s17], [sflag:$0x3], $0x80, s22, s16, $0xb8;
	[tilespmem:$0x1E400] =	vst v63  }
0x8e: {  	_ =	swait.ge [sflag:s14], $0x4000  }
0x8f: {  	[sflag:s14] =	ssyncset.done $0x0  }
0x90: {  	[sflag:s14] =	ssyncadd.s32 $0xFFFFC000  }
0x91: {  	_ =	swait.ge [sflag:s20], $0x4000  }
0x92: {  	[sflag:s20] =	ssyncset.done $0x0  }
0x93: {  	[sflag:s20] =	ssyncadd.s32 $0xFFFFC000  }
0x94: {  	[spmem:s2] =	stream.indirect.scatter.add.f32 [tilespmem:s19], [sflag:$0x3], $0x80, s23, s16, $0xb8;
	[tilespmem:$0x1E400] =	vst v63  }
0x95: {  	_ =	swait.ge [sflag:s14], $0x4000  }
0x96: {  	s24 =	sadd.s32 $0x1, s24;
	[sflag:s14] =	ssyncset.done $0x0  }
0x97: {  	p0 =	sne.s32 s24, s12;
	[sflag:s14] =	ssyncadd.s32 $0xFFFFC000  }
.Ltmp2:
0x98: {  	[bflag:$0x0] =	sbarrier.arrive $0xFFFF;
	(pc) =	sbr.rel @p0 .LBB2_1-.Ltmp2, $4  }
0x99: {  	[hbm:s11], [sflag:s6] =	dma.local [spmem:s13], $0x2780  }
0x9a: {  	_ =	swait.ge [sflag:s14], $0x2780  }
0x9b: {  	[sflag:s14] =	ssyncset.done $0x0  }
0x9c: {  	[sflag:s14] =	ssyncadd.s32 $0xFFFFD880  }
0x9d: {  	_ =	sfence.sel $0x180000  }
0x9e: {  	[bflag:$0x0] =	sbarrier.arrive $0xFFFF  }
0x9f: {  	p0 =	sne.s32 s3, $0x0;
	_ =	strace $0x9000004A  }
0xa0: {  	s0 =	sadd.s32 @!p0 $0x100000, s0;
	[bflag:$0x2] =	sbarrier.arrive $0xFFFF  }
0xa1: {  	[sflag:s0] =	ssyncadd.tile.s32 @!p0 $0x1;
	_ =	shalt  }
.Lfunc_end2:
_tile_overlayer_lowered:
.L_overlay_start_2:
0xa2: {  	(tag) =	ssettag $0x2  }
0xa3: {  	s0 =	rddreg [dreg:$0x0];
	s2 =	stileid.u32  }
0xa4: {  	s1 =	rddreg [dreg:$0x1];
	p0 =	sne.s32 s2, $0x0  }
0xa5: {  	s3 =	rddreg [dreg:$0x2];
	[bflag:$0x3] =	sbarrier.arrive $0xFFFF;
	s2 =	simm.s32 @!p0 $0x1C03  }
0xa6: {  	[timem:s3], [sflag:s2] =	dma.local @!p0 [hbm:s0], s1  }
0xa7: {  	s0 =	simm.s32 @!p0 $0x3  }
0xa8: {  	_ =	swait.ge @!p0 [sflag:s0], s1  }
0xa9: {  	s1 =	ssub.s32 @!p0 $0x0, s1;
	[sflag:s0] =	ssyncset.done @!p0 $0x0  }
0xaa: {  	[sflag:s0] =	ssyncadd.s32 @!p0 s1  }
0xab: {  	[bflag:$0x3] =	sbarrier.arrive $0xFFFF  }
0xac: {  	_ =	shalt  }

// kernel: kernel.14.cloned.1.call-start
scs
__scs_entry_jumppad:
0x0: {  	(pc) =	sbr.rel $0x88, $3  }
0x1: {  	(tag) =	ssettag $0x0;
	lr =	simm.s32 $0x1  }
0x2: {  	[smem:$0x3F97] =	sst lr;
	_ =	strace $0xD0000000  }
0x3: {  	_ = 	snop  }
0x4: {  	_ = 	snop  }
0x5: {  	_ = 	snop  }
0x6: {  	_ = 	snop  }
0x7: {  	_ = 	snop  }
__scs_overlays_trampoline_lowered:
0x8: {  	[smem:$0x3FA6] =	sst s0  }
0x9: {  	[smem:$0x3FA7] =	sst s1  }
0xa: {  	[smem:$0x3FA8] =	sst s2  }
0xb: {  	[smem:$0x3FA9] =	sst s3  }
0xc: {  	[smem:$0x3FAA] =	sst s4  }
0xd: {  	[smem:$0x3FAB] =	sst s5  }
0xe: {  	[smem:$0x3FAC] =	sst s6  }
0xf: {  	[smem:$0x3FAD] =	sst s7  }
0x10: {  	[smem:$0x3FAE] =	sst s8  }
0x11: {  	[smem:$0x3FAF] =	sst s9;
	s0 =	simm.s32 @!p0 $0x0  }
0x12: {  	s1 =	sld [smem:$0x3F95];
	s0 =	simm.s32 @p0 $0x1  }
0x13: {  	[smem:$0x3FB0] =	sst s0;
	s0 =	simm.s32 @!p1 $0x0  }
0x14: {  	s2 =	sld [smem:$0x3F94];
	s0 =	simm.s32 @p1 $0x1  }
0x15: {  	[smem:$0x3FB1] =	sst s0;
	s0 =	simm.s32 @!p2 $0x0  }
0x16: {  	s3 =	sld [smem:$0x3FDB];
	s0 =	simm.s32 @p2 $0x1  }
0x17: {  	s4 =	simm.s32 $0x1BF5;
	[smem:$0x3FB3] =	sst s0  }
0x18: {  	s0 =	sld [smem:$0x3F96];
	_ =	swait.ge [sflag:s4], $0x0  }
0x19: {  	s7 =	sld [smem:$0x3F97]  }
0x1a: {  	s8 =	sadd.s32 $0xFFFFE003, lr  }
0x1b: {  	s9 =	sadd.s32 $0xFFFFFEF7, lr;
	s5 =	simm.s32 $0xFFFFFFFF;
	p2 =	slt.u32 s8, $0xFFFFF086  }
0x1c: {  	p1 =	slt.u32 s9, $0xF7A;
	s5 =	simm.s32 @!p2 $0x0  }
0x1d: {  	s5 =	simm.s32 @p1 $0x1;
	p0 =	seq.s32 s7, s2  }
0x1e: {  	s7 =	smul.u32 @!p0 $0xF7A, s2;
	p2 =	seq.s32 @!p0 s5, $0x0  }
0x1f: {  	s9 =	smul.u32 $0xF7A, s1;
	s8 =	simm.s32 @!p0 $0x1BF5;
	p2 =	por !p2, p0  }
0x20: {  	[sflag:s8] =	ssyncset.s32 @!p0 $0xFFFFF086;
	s6 =	sadd.s32 @!p0 s3, s7;
	s7 =	simm.s32 @!p0 $0x108  }
0x21: {  	s3 =	sadd.s32 s3, s9;
	s6 =	sadd.s32 @!p0 $0x88, s6;
	s7 =	simm.s32 @p2 $0x1082  }
0x22: {  	[simem:s7], [sflag:s8] =	dma.local @!p0 [hbm:s6], $0xF7A  }
0x23: {  	s9 =	sor.u32 $0xD0000000, s2;
	s6 =	simm.s32 $0x108;
	_ =	swait.ge @!p0 [sflag:s8], $0x0  }
0x24: {  	s3 =	sadd.s32 $0x88, s3;
	s6 =	simm.s32 @!p1 $0x1082;
	[sflag:s4] =	ssyncset.s32 $0xFFFFF086  }
0x25: {  	[simem:s6], [sflag:s4] =	dma.local [hbm:s3], $0xF7A  }
0x26: {  	[smem:$0x3F97] =	sst s1;
	(tag) =	ssettag s2;
	_ =	strace s9  }
0x27: {  	s1 =	sld [smem:$0x3FA7]  }
0x28: {  	s2 =	sld [smem:$0x3FA8]  }
0x29: {  	s4 =	sld [smem:$0x3FAA]  }
0x2a: {  	p0 =	seq.s32 s5, $0x0;
	s5 =	sld [smem:$0x3FAB]  }
0x2b: {  	s6 =	sld [smem:$0x3FAC]  }
0x2c: {  	s7 =	sld [smem:$0x3FAD]  }
0x2d: {  	s3 =	simm.s32 $0x108;
	s8 =	sld [smem:$0x3FAE]  }
0x2e: {  	s3 =	simm.s32 @!p0 $0x1082;
	s9 =	sld [smem:$0x3FAF]  }
0x2f: {  	lr =	sadd.s32 s0, s3;
	s0 =	sld [smem:$0x3FA6]  }
0x30: {  	s3 =	sld [smem:$0x3FA9]  }
0x31: {  	[smem:$0x3FB2] =	sst s10  }
0x32: {  	s10 =	sld [smem:$0x3FB0];
	_ =	sdelay $0x3  }
0x33: {  	p0 =	seq.s32 s10, $0x1;
	s10 =	sld [smem:$0x3FB2];
	_ =	sdelay $0x3  }
0x34: {  	[smem:$0x3FB2] =	sst s10  }
0x35: {  	s10 =	sld [smem:$0x3FB1];
	_ =	sdelay $0x3  }
0x36: {  	p1 =	seq.s32 s10, $0x1;
	s10 =	sld [smem:$0x3FB2];
	_ =	sdelay $0x3  }
0x37: {  	[smem:$0x3FB2] =	sst s10  }
0x38: {  	s10 =	sld [smem:$0x3FB3]  }
0x39: {  	_ = 	snop;
	(pc) =	sbr.ind lr, $3  }
0x3a: {  	_ = 	snop  }
0x3b: {  	_ = 	snop  }
0x3c: {  	p2 =	seq.s32 s10, $0x1;
	s10 =	sld [smem:$0x3FB2]  }
0x3d: {  	_ =	shalt  }
0x3e: {  	_ =	shalt  }
0x3f: {  	_ =	shalt  }
0x40: {  	_ =	shalt  }
0x41: {  	_ =	shalt  }
0x42: {  	_ =	shalt  }
0x43: {  	_ =	shalt  }
0x44: {  	_ =	shalt  }
0x45: {  	_ =	shalt  }
0x46: {  	_ =	shalt  }
0x47: {  	_ =	shalt  }
0x48: {  	_ =	shalt  }
0x49: {  	_ =	shalt  }
0x4a: {  	_ =	shalt  }
0x4b: {  	_ =	shalt  }
0x4c: {  	_ =	shalt  }
0x4d: {  	_ =	shalt  }
0x4e: {  	_ =	shalt  }
0x4f: {  	_ =	shalt  }
0x50: {  	_ =	shalt  }
0x51: {  	_ =	shalt  }
0x52: {  	_ =	shalt  }
0x53: {  	_ =	shalt  }
0x54: {  	_ =	shalt  }
0x55: {  	_ =	shalt  }
0x56: {  	_ =	shalt  }
0x57: {  	_ =	shalt  }
0x58: {  	_ =	shalt  }
0x59: {  	_ =	shalt  }
0x5a: {  	_ =	shalt  }
0x5b: {  	_ =	shalt  }
0x5c: {  	_ =	shalt  }
0x5d: {  	_ =	shalt  }
0x5e: {  	_ =	shalt  }
0x5f: {  	_ =	shalt  }
0x60: {  	_ =	shalt  }
0x61: {  	_ =	shalt  }
0x62: {  	_ =	shalt  }
0x63: {  	_ =	shalt  }
0x64: {  	_ =	shalt  }
0x65: {  	_ =	shalt  }
0x66: {  	_ =	shalt  }
0x67: {  	_ =	shalt  }
0x68: {  	_ =	shalt  }
0x69: {  	_ =	shalt  }
0x6a: {  	_ =	shalt  }
0x6b: {  	_ =	shalt  }
0x6c: {  	_ =	shalt  }
0x6d: {  	_ =	shalt  }
0x6e: {  	_ =	shalt  }
0x6f: {  	_ =	shalt  }
0x70: {  	_ =	shalt  }
0x71: {  	_ =	shalt  }
0x72: {  	_ =	shalt  }
0x73: {  	_ =	shalt  }
0x74: {  	_ =	shalt  }
0x75: {  	_ =	shalt  }
0x76: {  	_ =	shalt  }
0x77: {  	_ =	shalt  }
0x78: {  	_ =	shalt  }
0x79: {  	_ =	shalt  }
0x7a: {  	_ =	shalt  }
0x7b: {  	_ =	shalt  }
0x7c: {  	_ =	shalt  }
0x7d: {  	_ =	shalt  }
0x7e: {  	_ =	shalt  }
0x7f: {  	_ =	shalt  }
0x80: {  	_ =	shalt  }
0x81: {  	_ =	shalt  }
0x82: {  	_ =	shalt  }
0x83: {  	_ =	shalt  }
0x84: {  	_ =	shalt  }
0x85: {  	_ =	shalt  }
0x86: {  	_ =	shalt  }
0x87: {  	_ =	shalt  }
.Lfunc_end0:
.L_simem_size_0:
called_computation.2_lowered:
.L_overlay_start_0:
0x88: {  	s2 =	sld [smem:$0x3FD9]  }
0x89: {  	s3 =	sld [smem:$0x3FFE];
	_ =	sdelay $0x1  }
0x8a: {  	s1 =	srdreg.scid  }
0x8b: {  	s0 =	sand.u32 $0x1, s1  }
0x8c: {  	s17 =	sshll.u32 s0, $0xA;
	s2 =	sadd.s32 s3, s2  }
0x8d: {  	s2 =	sadd.s32 s2, s17  }
0x8e: {  	[smem:$0x3FBE] =	sst s2  }
0x8f: {  	_ = 	snop  }
0x90: {  	s2 =	sld [smem:$0x3FD0];
	(tm) =	ssettm $0x1  }
0x91: {  	s18 =	sld [smem:$0x3FFB];
	_ =	sdelay $0x3  }
0x92: {  	_ =	strace s18  }
0x93: {  	s3 =	sld [smem:$0x3FFC];
	_ =	sdelay $0x3  }
0x94: {  	_ =	strace s3  }
0x95: {  	s3 =	sld [smem:$0x3FFD];
	_ =	sdelay $0x3  }
0x96: {  	_ =	strace s3  }
0x97: {  	_ =	strace $0x8FFFFFFF  }
0x98: {  	s19 =	sld [smem:$0x3FDB];
	_ =	sdelay $0x1  }
0x99: {  	s4 =	simm.s32 $_scs_section_size  }
0x9a: {  	s5 =	simm.s32 $_size__tile_overlayer_lowered;
	s6 =	simm.s32 $_tile_overlayer_lowered  }
0x9b: {  	s22 =	simm.s32 $0x1BFF;
	s21 =	sshll.u32 s6, $0x1;
	s3 =	sadd.s32 s4, s19  }
0x9c: {  	s7 =	simm.s32 $0x0;
	s20 =	sshll.u32 s5, $0x1;
	s5 =	sadd.s32 s21, s3  }
0x9d: {  	[timem:s7], [sflag:s22] =	dma.local [hbm:s5], s20  }
0x9e: {  	_ =	swait.ge [sflag:s22], s20  }
0x9f: {  	s4 =	ssub.s32 $0x0, s20;
	[sflag:s22] =	ssyncset.done $0x0  }
0xa0: {  	[sflag:s22] =	ssyncadd.s32 s4;
	_ =	sdelay $0x1  }
0xa1: {  	s23 =	simm.s32 $0x1B8B  }
0xa2: {  	_ =	swait.ge [sflag:s23], $0x1  }
0xa3: {  	[sflag:s23] =	ssyncset.done $0x0  }
0xa4: {  	s25 =	simm.s32 $0x1B8E;
	s24 =	sld [smem:$0x3FFE];
	[sflag:s23] =	ssyncadd.s32 $0xFFFFFFFF  }
0xa5: {  	s26 =	simm.s32 $execute0_lowered;
	[smem:$0x3FD2] =	sst s25  }
0xa6: {  	s5 =	sshll.u32 s26, $0x1;
	_ =	strace $0x8000004C;
	[dreg:$0x1] =	wrdreg $0xFFFFFFFF  }
0xa7: {  	s28 =	simm.s32 $_size_execute0_lowered;
	s3 =	sadd.s32 s3, s5;
	[dreg:$0x0] =	wrdreg $0x0  }
0xa8: {  	s5 =	sshll.u32 s28, $0x1;
	[dreg:$0x2] =	wrdreg s3  }
0xa9: {  	[dreg:$0x3] =	wrdreg s5  }
0xaa: {  	[dreg:$0x4] =	wrdreg $0xC0  }
0xab: {  	_ =	task [dreg:s7], $0x5FFFF  }
0xac: {  	[dreg:$0x1] =	wrdreg $0xFFFFFFFF  }
0xad: {  	[dreg:$0x0] =	wrdreg $0x60  }
0xae: {  	[dreg:$0x2] =	wrdreg s24  }
0xaf: {  	[dreg:$0x3] =	wrdreg s2  }
0xb0: {  	[dreg:$0x4] =	wrdreg $0xA8000  }
0xb1: {  	[dreg:$0x5] =	wrdreg $0x9  }
0xb2: {  	_ =	task.clear_ibuf [dreg:s7], $0x6FFFF;
	_ =	strace $0x9000004C  }
0xb3: {  	s29 =	simm.s32 $0x9;
	_ =	strace $0x8000004E  }
0xb4: {  	_ =	swait.ge [sflag:s29], $0x1  }
0xb5: {  	[sflag:s29] =	ssyncadd.s32 $0xFFFFFFFF  }
0xb6: {  	_ =	strace $0x9000004E  }
0xb7: {  	_ =	sfence  }
0xb8: {  	s30 =	sld [smem:$0x0];
	_ =	sdelay $0x2  }
0xb9: {  	s31 =	sshll.u32 s1, $0xD;
	s1 =	sshrl.u32 s1, $0x2  }
0xba: {  	s3 =	sand.u32 $0x4000, s31;
	s1 =	sadd.s32 s1, s30  }
0xbb: {  	s0 =	sor.u32 s3, s0;
	s1 =	sshll.u32 s1, $0x11  }
0xbc: {  	s0 =	sor.u32 s1, s0  }
0xbd: {  	s0 =	sadd.s32 $0x8F2B, s0  }
0xbe: {  	[sflag:s0] =	ssyncadd.remote.s32 $0x1  }
0xbf: {  	_ =	sfence.sel $0xFFFF  }
0xc0: {  	[dreg:$0x0] =	wrdreg $0xFFFFFFFF;
	(pc) =	sbr.abs _section_cstart, $3  }
0xc1: {  	[dreg:$0x1] =	wrdreg $0xFFFFFFFF  }
0xc2: {  	_ =	task.clear_ibuf [dreg:s7], $0x2FFFF;
	_ =	strace $0x9FFFFFFF  }
0xc3: {  	(tm) =	ssettm $0x7FFFFFFF  }
tec
execute0_lowered:
.L_overlay_start_1:
0x0: {  	(tag) =	ssettag $0x1  }
0x1: {  	s6 =	rddreg [dreg:$0x0]  }
0x2: {  	s1 =	rddreg [dreg:$0x1]  }
0x3: {  	s2 =	rddreg [dreg:$0x2];
	s3 =	srdreg.scid  }
0x4: {  	s0 =	rddreg [dreg:$0x3];
	s4 =	simm.s32 $0x0;
	s16 =	simm.s32 $0x80  }
0x5: {  	s17 =	simm.s32 $0x2800;
	s18 =	simm.s32 $0x1;
	s19 =	simm.s32 $0x6800  }
0x6: {  	s20 =	simm.s32 $0x2;
	s21 =	simm.s32 $0x1380;
	s22 =	simm.s32 $0x2700  }
0x7: {  	s23 =	simm.s32 $0x2780;
	s24 =	simm.s32 $0x0;
	s7 =	sand.u32 $0x1, s3  }
0x8: {  	s3 =	stileid.u32;
	[smem:$0x7FF] =	sst s4;
	s5 =	sadd.s32 $0x16C00, s6  }
0x9: {  	s10 =	sadd.s32 $0x2C00, s6;
	s13 =	sadd.s32 $0xCC00, s6;
	s8 =	smul.u32 $0x13C000, s7  }
0xa: {  	s9 =	smul.u32 $0x13C00, s3;
	_ =	strace $0x8000004D;
	s26 =	sshll.u32 s7, $0x4  }
0xb: {  	s7 =	ssub.s32 $0x2, s7;
	s11 =	smul.u32 $0x4F000, s3;
	s29 =	sshll.u32 s3, $0x6  }
0xc: {  	s12 =	sshrl.u32 s7, $0x1;
	s8 =	sadd.s32 s9, s8;
	s9 =	sor.u32 s3, s26  }
0xd: {  	s12 =	ssub.s32 s7, s12;
	s28 =	sshrl.u32 s11, $0x2;
	s9 =	smul.u32 $0x2800, s9  }
0xe: {  	s8 =	sshrl.u32 s8, $0x3;
	s15 =	sadd.s32 s28, s2;
	s12 =	smax.u32 s12, $0x1  }
0xf: {  	s14 =	sadd.s32 s8, s6;
	s6 =	sor.u32 $0x1C03, s29;
	s30 =	sshrl.u32 s9, $0x3  }
0x10: {  	s11 =	sadd.s32 $0x3E400, s14;
	s14 =	simm.s32 $0x3;
	s31 =	sadd.s32 $0x280, s30  }
0x11: {  	s7 =	sadd.s32 s10, s30;
	s8 =	sadd.s32 s13, s30;
	s9 =	sadd.s32 s10, s31  }
0x12: {  	s10 =	sadd.s32 s13, s31;
	s13 =	sshrl.u32 s15, $0x3;
	s15 =	simm.s32 $0x1400  }
.LBB2_1:
0x13: {  	[spmem:s13], [sflag:s6] =	dma.local [hbm:s1], $0x2780  }
0x14: {  	_ =	swait.ge [sflag:s14], $0x2780  }
0x15: {  	[sflag:s14] =	ssyncset.done $0x0  }
0x16: {  	[sflag:s14] =	ssyncadd.s32 $0xFFFFD880  }
0x17: {  	[bflag:$0x0] =	sbarrier.arrive $0xFFFF  }
0x18: {  	[tilespmem:s4], [sflag:$0x3] =	stream.linear.gather [hbm4b:s7+s4], $0x1400, $0x38;
	[tilespmem:$0x1E400] =	vst v63  }
0x19: {  	_ =	swait.ge [sflag:s14], $0x1400  }
0x1a: {  	[sflag:s14] =	ssyncset.done $0x0  }
0x1b: {  	[sflag:s14] =	ssyncadd.s32 $0xFFFFEC00  }
0x1c: {  	[tilespmem:s15], [sflag:$0x3] =	stream.linear.gather [hbm4b:s8+s4], $0x1400, $0x38;
	[tilespmem:$0x1E400] =	vst v63  }
0x1d: {  	_ =	swait.ge [sflag:s14], $0x1400  }
0x1e: {  	[sflag:s14] =	ssyncset.done $0x0  }
0x1f: {  	[sflag:s14] =	ssyncadd.s32 $0xFFFFEC00  }
0x20: {  	[tilespmem:s17], [sflag:$0x1] =	stream.indirect.gather [hbm4b:s5+s16], $0x80, s4, s16, $0xb8;
	[tilespmem:$0x1E400] =	vst v63  }
0x21: {  	_ =	swait.ge [sflag:s18], $0x4000  }
0x22: {  	[sflag:s18] =	ssyncset.done $0x0  }
0x23: {  	s25 =	simm.s32 $0x80;
	[sflag:s18] =	ssyncadd.s32 $0xFFFFC000  }
0x24: {  	[tilespmem:s19], [sflag:$0x2] =	stream.indirect.gather [hbm4b:s5+s16], $0x80, s25, s16, $0xb8;
	[tilespmem:$0x1E400] =	vst v63  }
0x25: {  	s29 =	simm.s32 $0x1400  }
0x26: {  	[spmem:s2] =	stream.indirect.scatter.add.f32 [tilespmem:s17], [sflag:$0x3], $0x80, s29, s16, $0xb8;
	[tilespmem:$0x1E400] =	vst v63  }
0x27: {  	_ =	swait.ge [sflag:s14], $0x4000  }
0x28: {  	[sflag:s14] =	ssyncset.done $0x0  }
0x29: {  	[sflag:s14] =	ssyncadd.s32 $0xFFFFC000  }
0x2a: {  	_ =	swait.ge [sflag:s20], $0x4000  }
0x2b: {  	[sflag:s20] =	ssyncset.done $0x0  }
0x2c: {  	s30 =	simm.s32 $0x100;
	[sflag:s20] =	ssyncadd.s32 $0xFFFFC000  }
0x2d: {  	[tilespmem:s17], [sflag:$0x1] =	stream.indirect.gather [hbm4b:s5+s16], $0x80, s30, s16, $0xb8;
	[tilespmem:$0x1E400] =	vst v63  }
0x2e: {  	s31 =	simm.s32 $0x1480  }
0x2f: {  	[spmem:s2] =	stream.indirect.scatter.add.f32 [tilespmem:s19], [sflag:$0x3], $0x80, s31, s16, $0xb8;
	[tilespmem:$0x1E400] =	vst v63  }
0x30: {  	_ =	swait.ge [sflag:s14], $0x4000  }
0x31: {  	s25 =	simm.s32 $0x400;
	[sflag:s14] =	ssyncset.done $0x0  }
.LBB2_2:
0x32: {  	p0 =	sne.s32 s25, $0x4800  }
0x33: {  	[sflag:s14] =	ssyncadd.s32 $0xFFFFC000;
	s26 =	smov.u32 s25;
	s25 =	sadd.s32 $0x400, s25  }
0x34: {  	_ = 	snop  }
0x35: {  	_ =	swait.ge [sflag:s18], $0x4000  }
0x36: {  	s26 =	sshra.s32 s26, $0x2;
	[sflag:s18] =	ssyncset.done $0x0  }
0x37: {  	s28 =	sadd.s32 $0x80, s26;
	[sflag:s18] =	ssyncadd.s32 $0xFFFFC000  }
0x38: {  	[tilespmem:s19], [sflag:$0x2] =	stream.indirect.gather [hbm4b:s5+s16], $0x80, s28, s16, $0xb8;
	[tilespmem:$0x1E400] =	vst v63  }
0x39: {  	s28 =	sadd.s32 $0x1400, s26  }
0x3a: {  	[spmem:s2] =	stream.indirect.scatter.add.f32 [tilespmem:s17], [sflag:$0x3], $0x80, s28, s16, $0xb8;
	[tilespmem:$0x1E400] =	vst v63  }
0x3b: {  	_ =	swait.ge [sflag:s14], $0x4000  }
0x3c: {  	[sflag:s14] =	ssyncset.done $0x0  }
0x3d: {  	[sflag:s14] =	ssyncadd.s32 $0xFFFFC000  }
0x3e: {  	_ =	swait.ge [sflag:s20], $0x4000  }
0x3f: {  	[sflag:s20] =	ssyncset.done $0x0  }
0x40: {  	s28 =	sadd.s32 $0x100, s26;
	[sflag:s20] =	ssyncadd.s32 $0xFFFFC000  }
0x41: {  	[tilespmem:s17], [sflag:$0x1] =	stream.indirect.gather [hbm4b:s5+s16], $0x80, s28, s16, $0xb8;
	[tilespmem:$0x1E400] =	vst v63  }
.Ltmp0:
0x42: {  	_ = 	snop;
	(pc) =	sbr.rel @p0 .LBB2_2-.Ltmp0, $4  }
0x43: {  	s26 =	sadd.s32 $0x1480, s26  }
0x44: {  	[spmem:s2] =	stream.indirect.scatter.add.f32 [tilespmem:s19], [sflag:$0x3], $0x80, s26, s16, $0xb8;
	[tilespmem:$0x1E400] =	vst v63  }
0x45: {  	_ =	swait.ge [sflag:s14], $0x4000  }
0x46: {  	[sflag:s14] =	ssyncset.done $0x0  }
0x47: {  	[sflag:s14] =	ssyncadd.s32 $0xFFFFC000  }
0x48: {  	_ =	swait.ge [sflag:s18], $0x4000  }
0x49: {  	[sflag:s18] =	ssyncset.done $0x0  }
0x4a: {  	[sflag:s18] =	ssyncadd.s32 $0xFFFFC000  }
0x4b: {  	[tilespmem:s19], [sflag:$0x2] =	stream.indirect.gather [hbm4b:s5+s16], $0x80, s21, s16, $0xb8;
	[tilespmem:$0x1E400] =	vst v63  }
0x4c: {  	_ = 	snop  }
0x4d: {  	[spmem:s2] =	stream.indirect.scatter.add.f32 [tilespmem:s17], [sflag:$0x3], $0x80, s22, s16, $0xb8;
	[tilespmem:$0x1E400] =	vst v63  }
0x4e: {  	_ =	swait.ge [sflag:s14], $0x4000  }
0x4f: {  	[sflag:s14] =	ssyncset.done $0x0  }
0x50: {  	[sflag:s14] =	ssyncadd.s32 $0xFFFFC000  }
0x51: {  	_ =	swait.ge [sflag:s20], $0x4000  }
0x52: {  	[sflag:s20] =	ssyncset.done $0x0  }
0x53: {  	[sflag:s20] =	ssyncadd.s32 $0xFFFFC000  }
0x54: {  	[spmem:s2] =	stream.indirect.scatter.add.f32 [tilespmem:s19], [sflag:$0x3], $0x80, s23, s16, $0xb8;
	[tilespmem:$0x1E400] =	vst v63  }
0x55: {  	_ =	swait.ge [sflag:s14], $0x4000  }
0x56: {  	[sflag:s14] =	ssyncset.done $0x0  }
0x57: {  	s25 =	simm.s32 $0x0;
	[sflag:s14] =	ssyncadd.s32 $0xFFFFC000  }
0x58: {  	[tilespmem:s25], [sflag:$0x3] =	stream.linear.gather [hbm4b:s9+s25], $0x1400, $0x38;
	[tilespmem:$0x1E400] =	vst v63  }
0x59: {  	_ =	swait.ge [sflag:s14], $0x1400  }
0x5a: {  	[sflag:s14] =	ssyncset.done $0x0  }
0x5b: {  	[sflag:s14] =	ssyncadd.s32 $0xFFFFEC00  }
0x5c: {  	[tilespmem:s15], [sflag:$0x3] =	stream.linear.gather [hbm4b:s10+s25], $0x1400, $0x38;
	[tilespmem:$0x1E400] =	vst v63  }
0x5d: {  	_ =	swait.ge [sflag:s14], $0x1400  }
0x5e: {  	[sflag:s14] =	ssyncset.done $0x0  }
0x5f: {  	[sflag:s14] =	ssyncadd.s32 $0xFFFFEC00  }
0x60: {  	[tilespmem:s17], [sflag:$0x1] =	stream.indirect.gather [hbm4b:s5+s16], $0x80, s25, s16, $0xb8;
	[tilespmem:$0x1E400] =	vst v63  }
0x61: {  	_ =	swait.ge [sflag:s18], $0x4000  }
0x62: {  	[sflag:s18] =	ssyncset.done $0x0  }
0x63: {  	s28 =	simm.s32 $0x80;
	[sflag:s18] =	ssyncadd.s32 $0xFFFFC000  }
0x64: {  	[tilespmem:s19], [sflag:$0x2] =	stream.indirect.gather [hbm4b:s5+s16], $0x80, s28, s16, $0xb8;
	[tilespmem:$0x1E400] =	vst v63  }
0x65: {  	s29 =	simm.s32 $0x1400  }
0x66: {  	[spmem:s2] =	stream.indirect.scatter.add.f32 [tilespmem:s17], [sflag:$0x3], $0x80, s29, s16, $0xb8;
	[tilespmem:$0x1E400] =	vst v63  }
0x67: {  	_ =	swait.ge [sflag:s14], $0x4000  }
0x68: {  	[sflag:s14] =	ssyncset.done $0x0  }
0x69: {  	[sflag:s14] =	ssyncadd.s32 $0xFFFFC000  }
0x6a: {  	_ =	swait.ge [sflag:s20], $0x4000  }
0x6b: {  	[sflag:s20] =	ssyncset.done $0x0  }
0x6c: {  	s30 =	simm.s32 $0x100;
	[sflag:s20] =	ssyncadd.s32 $0xFFFFC000  }
0x6d: {  	[tilespmem:s17], [sflag:$0x1] =	stream.indirect.gather [hbm4b:s5+s16], $0x80, s30, s16, $0xb8;
	[tilespmem:$0x1E400] =	vst v63  }
0x6e: {  	s31 =	simm.s32 $0x1480  }
0x6f: {  	[spmem:s2] =	stream.indirect.scatter.add.f32 [tilespmem:s19], [sflag:$0x3], $0x80, s31, s16, $0xb8;
	[tilespmem:$0x1E400] =	vst v63  }
0x70: {  	_ =	swait.ge [sflag:s14], $0x4000  }
0x71: {  	s25 =	simm.s32 $0x400;
	[sflag:s14] =	ssyncset.done $0x0  }
.LBB2_4:
0x72: {  	p0 =	sne.s32 s25, $0x4800  }
0x73: {  	[sflag:s14] =	ssyncadd.s32 $0xFFFFC000;
	s26 =	smov.u32 s25;
	s25 =	sadd.s32 $0x400, s25  }
0x74: {  	_ = 	snop  }
0x75: {  	_ =	swait.ge [sflag:s18], $0x4000  }
0x76: {  	s26 =	sshra.s32 s26, $0x2;
	[sflag:s18] =	ssyncset.done $0x0  }
0x77: {  	s28 =	sadd.s32 $0x80, s26;
	[sflag:s18] =	ssyncadd.s32 $0xFFFFC000  }
0x78: {  	[tilespmem:s19], [sflag:$0x2] =	stream.indirect.gather [hbm4b:s5+s16], $0x80, s28, s16, $0xb8;
	[tilespmem:$0x1E400] =	vst v63  }
0x79: {  	s28 =	sadd.s32 $0x1400, s26  }
0x7a: {  	[spmem:s2] =	stream.indirect.scatter.add.f32 [tilespmem:s17], [sflag:$0x3], $0x80, s28, s16, $0xb8;
	[tilespmem:$0x1E400] =	vst v63  }
0x7b: {  	_ =	swait.ge [sflag:s14], $0x4000  }
0x7c: {  	[sflag:s14] =	ssyncset.done $0x0  }
0x7d: {  	[sflag:s14] =	ssyncadd.s32 $0xFFFFC000  }
0x7e: {  	_ =	swait.ge [sflag:s20], $0x4000  }
0x7f: {  	[sflag:s20] =	ssyncset.done $0x0  }
0x80: {  	s28 =	sadd.s32 $0x100, s26;
	[sflag:s20] =	ssyncadd.s32 $0xFFFFC000  }
0x81: {  	[tilespmem:s17], [sflag:$0x1] =	stream.indirect.gather [hbm4b:s5+s16], $0x80, s28, s16, $0xb8;
	[tilespmem:$0x1E400] =	vst v63  }
.Ltmp1:
0x82: {  	_ = 	snop;
	(pc) =	sbr.rel @p0 .LBB2_4-.Ltmp1, $4  }
0x83: {  	s26 =	sadd.s32 $0x1480, s26  }
0x84: {  	[spmem:s2] =	stream.indirect.scatter.add.f32 [tilespmem:s19], [sflag:$0x3], $0x80, s26, s16, $0xb8;
	[tilespmem:$0x1E400] =	vst v63  }
0x85: {  	_ =	swait.ge [sflag:s14], $0x4000  }
0x86: {  	[sflag:s14] =	ssyncset.done $0x0  }
0x87: {  	[sflag:s14] =	ssyncadd.s32 $0xFFFFC000  }
0x88: {  	_ =	swait.ge [sflag:s18], $0x4000  }
0x89: {  	[sflag:s18] =	ssyncset.done $0x0  }
0x8a: {  	[sflag:s18] =	ssyncadd.s32 $0xFFFFC000  }
0x8b: {  	[tilespmem:s19], [sflag:$0x2] =	stream.indirect.gather [hbm4b:s5+s16], $0x80, s21, s16, $0xb8;
	[tilespmem:$0x1E400] =	vst v63  }
0x8c: {  	_ = 	snop  }
0x8d: {  	[spmem:s2] =	stream.indirect.scatter.add.f32 [tilespmem:s17], [sflag:$0x3], $0x80, s22, s16, $0xb8;
	[tilespmem:$0x1E400] =	vst v63  }
0x8e: {  	_ =	swait.ge [sflag:s14], $0x4000  }
0x8f: {  	[sflag:s14] =	ssyncset.done $0x0  }
0x90: {  	[sflag:s14] =	ssyncadd.s32 $0xFFFFC000  }
0x91: {  	_ =	swait.ge [sflag:s20], $0x4000  }
0x92: {  	[sflag:s20] =	ssyncset.done $0x0  }
0x93: {  	[sflag:s20] =	ssyncadd.s32 $0xFFFFC000  }
0x94: {  	[spmem:s2] =	stream.indirect.scatter.add.f32 [tilespmem:s19], [sflag:$0x3], $0x80, s23, s16, $0xb8;
	[tilespmem:$0x1E400] =	vst v63  }
0x95: {  	_ =	swait.ge [sflag:s14], $0x4000  }
0x96: {  	s24 =	sadd.s32 $0x1, s24;
	[sflag:s14] =	ssyncset.done $0x0  }
0x97: {  	p0 =	sne.s32 s24, s12;
	[sflag:s14] =	ssyncadd.s32 $0xFFFFC000  }
.Ltmp2:
0x98: {  	[bflag:$0x0] =	sbarrier.arrive $0xFFFF;
	(pc) =	sbr.rel @p0 .LBB2_1-.Ltmp2, $4  }
0x99: {  	[hbm:s11], [sflag:s6] =	dma.local [spmem:s13], $0x2780  }
0x9a: {  	_ =	swait.ge [sflag:s14], $0x2780  }
0x9b: {  	[sflag:s14] =	ssyncset.done $0x0  }
0x9c: {  	[sflag:s14] =	ssyncadd.s32 $0xFFFFD880  }
0x9d: {  	_ =	sfence.sel $0x180000  }
0x9e: {  	[bflag:$0x0] =	sbarrier.arrive $0xFFFF  }
0x9f: {  	p0 =	sne.s32 s3, $0x0;
	_ =	strace $0x9000004D  }
0xa0: {  	s0 =	sadd.s32 @!p0 $0x100000, s0;
	[bflag:$0x2] =	sbarrier.arrive $0xFFFF  }
0xa1: {  	[sflag:s0] =	ssyncadd.tile.s32 @!p0 $0x1;
	_ =	shalt  }
.Lfunc_end2:
_tile_overlayer_lowered:
.L_overlay_start_2:
0xa2: {  	(tag) =	ssettag $0x2  }
0xa3: {  	s0 =	rddreg [dreg:$0x0];
	s2 =	stileid.u32  }
0xa4: {  	s1 =	rddreg [dreg:$0x1];
	p0 =	sne.s32 s2, $0x0  }
0xa5: {  	s3 =	rddreg [dreg:$0x2];
	[bflag:$0x3] =	sbarrier.arrive $0xFFFF;
	s2 =	simm.s32 @!p0 $0x1C03  }
0xa6: {  	[timem:s3], [sflag:s2] =	dma.local @!p0 [hbm:s0], s1  }
0xa7: {  	s0 =	simm.s32 @!p0 $0x3  }
0xa8: {  	_ =	swait.ge @!p0 [sflag:s0], s1  }
0xa9: {  	s1 =	ssub.s32 @!p0 $0x0, s1;
	[sflag:s0] =	ssyncset.done @!p0 $0x0  }
0xaa: {  	[sflag:s0] =	ssyncadd.s32 @!p0 s1  }
0xab: {  	[bflag:$0x3] =	sbarrier.arrive $0xFFFF  }
0xac: {  	_ =	shalt  }

// kernel: kernel.8.cloned.1.call-start
scs
__scs_entry_jumppad:
0x0: {  	(pc) =	sbr.rel $0x88, $3  }
0x1: {  	(tag) =	ssettag $0x0;
	lr =	simm.s32 $0x1  }
0x2: {  	[smem:$0x3F97] =	sst lr;
	_ =	strace $0xD0000000  }
0x3: {  	_ = 	snop  }
0x4: {  	_ = 	snop  }
0x5: {  	_ = 	snop  }
0x6: {  	_ = 	snop  }
0x7: {  	_ = 	snop  }
__scs_overlays_trampoline_lowered:
0x8: {  	[smem:$0x3FA6] =	sst s0  }
0x9: {  	[smem:$0x3FA7] =	sst s1  }
0xa: {  	[smem:$0x3FA8] =	sst s2  }
0xb: {  	[smem:$0x3FA9] =	sst s3  }
0xc: {  	[smem:$0x3FAA] =	sst s4  }
0xd: {  	[smem:$0x3FAB] =	sst s5  }
0xe: {  	[smem:$0x3FAC] =	sst s6  }
0xf: {  	[smem:$0x3FAD] =	sst s7  }
0x10: {  	[smem:$0x3FAE] =	sst s8  }
0x11: {  	[smem:$0x3FAF] =	sst s9;
	s0 =	simm.s32 @!p0 $0x0  }
0x12: {  	s1 =	sld [smem:$0x3F95];
	s0 =	simm.s32 @p0 $0x1  }
0x13: {  	[smem:$0x3FB0] =	sst s0;
	s0 =	simm.s32 @!p1 $0x0  }
0x14: {  	s2 =	sld [smem:$0x3F94];
	s0 =	simm.s32 @p1 $0x1  }
0x15: {  	[smem:$0x3FB1] =	sst s0;
	s0 =	simm.s32 @!p2 $0x0  }
0x16: {  	s3 =	sld [smem:$0x3FDB];
	s0 =	simm.s32 @p2 $0x1  }
0x17: {  	s4 =	simm.s32 $0x1BF5;
	[smem:$0x3FB3] =	sst s0  }
0x18: {  	s0 =	sld [smem:$0x3F96];
	_ =	swait.ge [sflag:s4], $0x0  }
0x19: {  	s7 =	sld [smem:$0x3F97]  }
0x1a: {  	s8 =	sadd.s32 $0xFFFFE003, lr  }
0x1b: {  	s9 =	sadd.s32 $0xFFFFFEF7, lr;
	s5 =	simm.s32 $0xFFFFFFFF;
	p2 =	slt.u32 s8, $0xFFFFF086  }
0x1c: {  	p1 =	slt.u32 s9, $0xF7A;
	s5 =	simm.s32 @!p2 $0x0  }
0x1d: {  	s5 =	simm.s32 @p1 $0x1;
	p0 =	seq.s32 s7, s2  }
0x1e: {  	s7 =	smul.u32 @!p0 $0xF7A, s2;
	p2 =	seq.s32 @!p0 s5, $0x0  }
0x1f: {  	s9 =	smul.u32 $0xF7A, s1;
	s8 =	simm.s32 @!p0 $0x1BF5;
	p2 =	por !p2, p0  }
0x20: {  	[sflag:s8] =	ssyncset.s32 @!p0 $0xFFFFF086;
	s6 =	sadd.s32 @!p0 s3, s7;
	s7 =	simm.s32 @!p0 $0x108  }
0x21: {  	s3 =	sadd.s32 s3, s9;
	s6 =	sadd.s32 @!p0 $0x88, s6;
	s7 =	simm.s32 @p2 $0x1082  }
0x22: {  	[simem:s7], [sflag:s8] =	dma.local @!p0 [hbm:s6], $0xF7A  }
0x23: {  	s9 =	sor.u32 $0xD0000000, s2;
	s6 =	simm.s32 $0x108;
	_ =	swait.ge @!p0 [sflag:s8], $0x0  }
0x24: {  	s3 =	sadd.s32 $0x88, s3;
	s6 =	simm.s32 @!p1 $0x1082;
	[sflag:s4] =	ssyncset.s32 $0xFFFFF086  }
0x25: {  	[simem:s6], [sflag:s4] =	dma.local [hbm:s3], $0xF7A  }
0x26: {  	[smem:$0x3F97] =	sst s1;
	(tag) =	ssettag s2;
	_ =	strace s9  }
0x27: {  	s1 =	sld [smem:$0x3FA7]  }
0x28: {  	s2 =	sld [smem:$0x3FA8]  }
0x29: {  	s4 =	sld [smem:$0x3FAA]  }
0x2a: {  	p0 =	seq.s32 s5, $0x0;
	s5 =	sld [smem:$0x3FAB]  }
0x2b: {  	s6 =	sld [smem:$0x3FAC]  }
0x2c: {  	s7 =	sld [smem:$0x3FAD]  }
0x2d: {  	s3 =	simm.s32 $0x108;
	s8 =	sld [smem:$0x3FAE]  }
0x2e: {  	s3 =	simm.s32 @!p0 $0x1082;
	s9 =	sld [smem:$0x3FAF]  }
0x2f: {  	lr =	sadd.s32 s0, s3;
	s0 =	sld [smem:$0x3FA6]  }
0x30: {  	s3 =	sld [smem:$0x3FA9]  }
0x31: {  	[smem:$0x3FB2] =	sst s10  }
0x32: {  	s10 =	sld [smem:$0x3FB0];
	_ =	sdelay $0x3  }
0x33: {  	p0 =	seq.s32 s10, $0x1;
	s10 =	sld [smem:$0x3FB2];
	_ =	sdelay $0x3  }
0x34: {  	[smem:$0x3FB2] =	sst s10  }
0x35: {  	s10 =	sld [smem:$0x3FB1];
	_ =	sdelay $0x3  }
0x36: {  	p1 =	seq.s32 s10, $0x1;
	s10 =	sld [smem:$0x3FB2];
	_ =	sdelay $0x3  }
0x37: {  	[smem:$0x3FB2] =	sst s10  }
0x38: {  	s10 =	sld [smem:$0x3FB3]  }
0x39: {  	_ = 	snop;
	(pc) =	sbr.ind lr, $3  }
0x3a: {  	_ = 	snop  }
0x3b: {  	_ = 	snop  }
0x3c: {  	p2 =	seq.s32 s10, $0x1;
	s10 =	sld [smem:$0x3FB2]  }
0x3d: {  	_ =	shalt  }
0x3e: {  	_ =	shalt  }
0x3f: {  	_ =	shalt  }
0x40: {  	_ =	shalt  }
0x41: {  	_ =	shalt  }
0x42: {  	_ =	shalt  }
0x43: {  	_ =	shalt  }
0x44: {  	_ =	shalt  }
0x45: {  	_ =	shalt  }
0x46: {  	_ =	shalt  }
0x47: {  	_ =	shalt  }
0x48: {  	_ =	shalt  }
0x49: {  	_ =	shalt  }
0x4a: {  	_ =	shalt  }
0x4b: {  	_ =	shalt  }
0x4c: {  	_ =	shalt  }
0x4d: {  	_ =	shalt  }
0x4e: {  	_ =	shalt  }
0x4f: {  	_ =	shalt  }
0x50: {  	_ =	shalt  }
0x51: {  	_ =	shalt  }
0x52: {  	_ =	shalt  }
0x53: {  	_ =	shalt  }
0x54: {  	_ =	shalt  }
0x55: {  	_ =	shalt  }
0x56: {  	_ =	shalt  }
0x57: {  	_ =	shalt  }
0x58: {  	_ =	shalt  }
0x59: {  	_ =	shalt  }
0x5a: {  	_ =	shalt  }
0x5b: {  	_ =	shalt  }
0x5c: {  	_ =	shalt  }
0x5d: {  	_ =	shalt  }
0x5e: {  	_ =	shalt  }
0x5f: {  	_ =	shalt  }
0x60: {  	_ =	shalt  }
0x61: {  	_ =	shalt  }
0x62: {  	_ =	shalt  }
0x63: {  	_ =	shalt  }
0x64: {  	_ =	shalt  }
0x65: {  	_ =	shalt  }
0x66: {  	_ =	shalt  }
0x67: {  	_ =	shalt  }
0x68: {  	_ =	shalt  }
0x69: {  	_ =	shalt  }
0x6a: {  	_ =	shalt  }
0x6b: {  	_ =	shalt  }
0x6c: {  	_ =	shalt  }
0x6d: {  	_ =	shalt  }
0x6e: {  	_ =	shalt  }
0x6f: {  	_ =	shalt  }
0x70: {  	_ =	shalt  }
0x71: {  	_ =	shalt  }
0x72: {  	_ =	shalt  }
0x73: {  	_ =	shalt  }
0x74: {  	_ =	shalt  }
0x75: {  	_ =	shalt  }
0x76: {  	_ =	shalt  }
0x77: {  	_ =	shalt  }
0x78: {  	_ =	shalt  }
0x79: {  	_ =	shalt  }
0x7a: {  	_ =	shalt  }
0x7b: {  	_ =	shalt  }
0x7c: {  	_ =	shalt  }
0x7d: {  	_ =	shalt  }
0x7e: {  	_ =	shalt  }
0x7f: {  	_ =	shalt  }
0x80: {  	_ =	shalt  }
0x81: {  	_ =	shalt  }
0x82: {  	_ =	shalt  }
0x83: {  	_ =	shalt  }
0x84: {  	_ =	shalt  }
0x85: {  	_ =	shalt  }
0x86: {  	_ =	shalt  }
0x87: {  	_ =	shalt  }
.Lfunc_end0:
.L_simem_size_0:
called_computation_lowered:
.L_overlay_start_0:
0x88: {  	s2 =	sld [smem:$0x3FD9]  }
0x89: {  	s3 =	sld [smem:$0x3FFE];
	_ =	sdelay $0x1  }
0x8a: {  	s1 =	srdreg.scid  }
0x8b: {  	s0 =	sand.u32 $0x1, s1  }
0x8c: {  	s17 =	sshll.u32 s0, $0xA;
	s2 =	sadd.s32 s3, s2  }
0x8d: {  	s2 =	sadd.s32 s2, s17  }
0x8e: {  	[smem:$0x3FBE] =	sst s2  }
0x8f: {  	_ = 	snop  }
0x90: {  	s2 =	sld [smem:$0x3FD0];
	(tm) =	ssettm $0x1  }
0x91: {  	s18 =	sld [smem:$0x3FFB];
	_ =	sdelay $0x3  }
0x92: {  	_ =	strace s18  }
0x93: {  	s3 =	sld [smem:$0x3FFC];
	_ =	sdelay $0x3  }
0x94: {  	_ =	strace s3  }
0x95: {  	s3 =	sld [smem:$0x3FFD];
	_ =	sdelay $0x3  }
0x96: {  	_ =	strace s3  }
0x97: {  	_ =	strace $0x8FFFFFFF  }
0x98: {  	s19 =	sld [smem:$0x3FDB];
	_ =	sdelay $0x1  }
0x99: {  	s4 =	simm.s32 $_scs_section_size  }
0x9a: {  	s5 =	simm.s32 $_size__tile_overlayer_lowered;
	s6 =	simm.s32 $_tile_overlayer_lowered  }
0x9b: {  	s22 =	simm.s32 $0x1BFF;
	s21 =	sshll.u32 s6, $0x1;
	s3 =	sadd.s32 s4, s19  }
0x9c: {  	s7 =	simm.s32 $0x0;
	s20 =	sshll.u32 s5, $0x1;
	s5 =	sadd.s32 s21, s3  }
0x9d: {  	[timem:s7], [sflag:s22] =	dma.local [hbm:s5], s20  }
0x9e: {  	_ =	swait.ge [sflag:s22], s20  }
0x9f: {  	s4 =	ssub.s32 $0x0, s20;
	[sflag:s22] =	ssyncset.done $0x0  }
0xa0: {  	[sflag:s22] =	ssyncadd.s32 s4;
	_ =	sdelay $0x1  }
0xa1: {  	s23 =	simm.s32 $0x1B8B  }
0xa2: {  	_ =	swait.ge [sflag:s23], $0x1  }
0xa3: {  	[sflag:s23] =	ssyncset.done $0x0  }
0xa4: {  	s25 =	simm.s32 $0x1B8E;
	s24 =	sld [smem:$0x3FFE];
	[sflag:s23] =	ssyncadd.s32 $0xFFFFFFFF  }
0xa5: {  	s26 =	simm.s32 $execute0_lowered;
	[smem:$0x3FD2] =	sst s25  }
0xa6: {  	s5 =	sshll.u32 s26, $0x1;
	_ =	strace $0x80000046;
	[dreg:$0x1] =	wrdreg $0xFFFFFFFF  }
0xa7: {  	s28 =	simm.s32 $_size_execute0_lowered;
	s3 =	sadd.s32 s3, s5;
	[dreg:$0x0] =	wrdreg $0x0  }
0xa8: {  	s5 =	sshll.u32 s28, $0x1;
	[dreg:$0x2] =	wrdreg s3  }
0xa9: {  	[dreg:$0x3] =	wrdreg s5  }
0xaa: {  	[dreg:$0x4] =	wrdreg $0xC0  }
0xab: {  	_ =	task [dreg:s7], $0x5FFFF  }
0xac: {  	[dreg:$0x1] =	wrdreg $0xFFFFFFFF  }
0xad: {  	[dreg:$0x0] =	wrdreg $0x60  }
0xae: {  	[dreg:$0x2] =	wrdreg s2  }
0xaf: {  	[dreg:$0x3] =	wrdreg s24  }
0xb0: {  	[dreg:$0x4] =	wrdreg $0x58000  }
0xb1: {  	[dreg:$0x5] =	wrdreg $0x9  }
0xb2: {  	_ =	task.clear_ibuf [dreg:s7], $0x6FFFF;
	_ =	strace $0x90000046  }
0xb3: {  	s29 =	simm.s32 $0x9;
	_ =	strace $0x80000048  }
0xb4: {  	_ =	swait.ge [sflag:s29], $0x1  }
0xb5: {  	[sflag:s29] =	ssyncadd.s32 $0xFFFFFFFF  }
0xb6: {  	_ =	strace $0x90000048  }
0xb7: {  	_ =	sfence  }
0xb8: {  	s30 =	sld [smem:$0x0];
	_ =	sdelay $0x2  }
0xb9: {  	s31 =	sshll.u32 s1, $0xD;
	s1 =	sshrl.u32 s1, $0x2  }
0xba: {  	s3 =	sand.u32 $0x4000, s31;
	s1 =	sadd.s32 s1, s30  }
0xbb: {  	s0 =	sor.u32 s3, s0;
	s1 =	sshll.u32 s1, $0x11  }
0xbc: {  	s0 =	sor.u32 s1, s0  }
0xbd: {  	s0 =	sadd.s32 $0x8F2B, s0  }
0xbe: {  	[sflag:s0] =	ssyncadd.remote.s32 $0x1  }
0xbf: {  	_ =	sfence.sel $0xFFFF  }
0xc0: {  	[dreg:$0x0] =	wrdreg $0xFFFFFFFF;
	(pc) =	sbr.abs _section_cstart, $3  }
0xc1: {  	[dreg:$0x1] =	wrdreg $0xFFFFFFFF  }
0xc2: {  	_ =	task.clear_ibuf [dreg:s7], $0x2FFFF;
	_ =	strace $0x9FFFFFFF  }
0xc3: {  	(tm) =	ssettm $0x7FFFFFFF  }
tec
execute0_lowered:
.L_overlay_start_1:
0x0: {  	(tag) =	ssettag $0x1  }
0x1: {  	s6 =	rddreg [dreg:$0x0]  }
0x2: {  	s7 =	rddreg [dreg:$0x1];
	s1 =	srdreg.scid  }
0x3: {  	s0 =	stileid.u32;
	s2 =	rddreg [dreg:$0x2]  }
0x4: {  	s3 =	simm.s32 $0x0;
	s13 =	simm.s32 $0x80;
	s14 =	simm.s32 $0x100  }
0x5: {  	s15 =	simm.s32 $0x180;
	s16 =	simm.s32 $0x1;
	s17 =	simm.s32 $0x0  }
0x6: {  	s8 =	sand.u32 $0x1, s1;
	s9 =	smul.u32 $0x2780, s0;
	s1 =	rddreg [dreg:$0x3]  }
0x7: {  	[smem:$0x7FF] =	sst s3;
	s12 =	smul.u32 $0x5000, s0;
	s4 =	sadd.s32 $0x17200, s7  }
0x8: {  	s5 =	sadd.s32 $0x16C00, s7;
	s31 =	sshll.u32 s0, $0x6;
	s10 =	smul.u32 $0x27800, s8  }
0x9: {  	s11 =	smul.u32 $0x50000, s8;
	_ =	strace $0x80000047;
	s8 =	ssub.s32 $0x2, s8  }
0xa: {  	s29 =	sshrl.u32 s8, $0x1;
	s30 =	sadd.s32 s9, s2;
	s10 =	sadd.s32 s9, s10  }
0xb: {  	s11 =	sadd.s32 s12, s11;
	s8 =	ssub.s32 s8, s29;
	s9 =	simm.s32 $0x2  }
0xc: {  	s12 =	sshrl.u32 s30, $0x3;
	s10 =	sshrl.u32 s10, $0x3;
	s11 =	sshrl.u32 s11, $0x3  }
0xd: {  	s8 =	smax.u32 s8, $0x1;
	s7 =	sadd.s32 s10, s7;
	s6 =	sadd.s32 s6, s11  }
0xe: {  	s10 =	simm.s32 $0x5000;
	s11 =	sor.u32 $0x1C02, s31;
	s7 =	sadd.s32 $0x17400, s7  }
.LBB2_1:
0xf: {  	[tilespmem:s3], [sflag:$0x2] =	stream.linear.gather [hbm4b:s6+s3], $0x5000, $0x38;
	[tilespmem:$0x7F80] =	vst v63  }
0x10: {  	_ =	swait.ge [sflag:s9], $0x5000  }
0x11: {  	[sflag:s9] =	ssyncset.done $0x0  }
0x12: {  	[sflag:s9] =	ssyncadd.s32 $0xFFFFB000  }
0x13: {  	[tilespmem:s10], [sflag:$0x2] =	stream.linear.gather [hbm4b:s4+s3], $0x800, $0x38;
	[tilespmem:$0x7F80] =	vst v63  }
0x14: {  	_ =	swait.ge [sflag:s9], $0x800  }
0x15: {  	[sflag:s9] =	ssyncset.done $0x0  }
0x16: {  	[sflag:s9] =	ssyncadd.s32 $0xFFFFF800  }
0x17: {  	[spmem:s12], [sflag:s11] =	dma.local [hbm:s5], $0x4F0  }
0x18: {  	_ =	swait.ge [sflag:s9], $0x4F0  }
0x19: {  	[sflag:s9] =	ssyncset.done $0x0  }
0x1a: {  	[sflag:s9] =	ssyncadd.s32 $0xFFFFFB10  }
0x1b: {  	[bflag:$0x0] =	sbarrier.arrive $0xFFFF  }
0x1c: {  	[spmem:s2] =	stream.indirect.scatter.add.f32 [tilespmem:s10], [sflag:$0x1], $0x10, s3, s13, $0xb8;
	[tilespmem:$0x7F80] =	vst v63  }
0x1d: {  	_ = 	snop  }
0x1e: {  	[spmem:s2] =	stream.indirect.scatter.add.f32 [tilespmem:s10], [sflag:$0x1], $0x10, s13, s13, $0xb8;
	[tilespmem:$0x7F80] =	vst v63  }
0x1f: {  	_ = 	snop  }
0x20: {  	[spmem:s2] =	stream.indirect.scatter.add.f32 [tilespmem:s10], [sflag:$0x1], $0x10, s14, s13, $0xb8;
	[tilespmem:$0x7F80] =	vst v63  }
0x21: {  	_ = 	snop  }
0x22: {  	[spmem:s2] =	stream.indirect.scatter.add.f32 [tilespmem:s10], [sflag:$0x1], $0x10, s15, s13, $0xb8;
	[tilespmem:$0x7F80] =	vst v63  }
0x23: {  	_ =	swait.ge [sflag:s16], $0x800  }
0x24: {  	[sflag:s16] =	ssyncset.done $0x0  }
0x25: {  	s18 =	simm.s32 $0xA00;
	s19 =	simm.s32 $0x200;
	[sflag:s16] =	ssyncadd.s32 $0xFFFFF800  }
.LBB2_2:
0x26: {  	[spmem:s2] =	stream.indirect.scatter.add.f32 [tilespmem:s10], [sflag:$0x1], $0x10, s19, s13, $0xb8;
	[tilespmem:$0x7F80] =	vst v63  }
0x27: {  	s19 =	smov.u32 s18;
	p0 =	sne.s32 s18, $0x13E00  }
.Ltmp0:
0x28: {  	s18 =	sadd.s32 $0x200, s18;
	(pc) =	sbr.rel @p0 .LBB2_2-.Ltmp0, $4  }
0x29: {  	_ = 	snop  }
0x2a: {  	_ =	swait.ge [sflag:s16], $0x800  }
0x2b: {  	[sflag:s16] =	ssyncset.done $0x0  }
0x2c: {  	s19 =	sshra.s32 s19, $0x2;
	[sflag:s16] =	ssyncadd.s32 $0xFFFFF800  }
0x2d: {  	[spmem:s2] =	stream.indirect.scatter.add.f32 [tilespmem:s10], [sflag:$0x1], $0x10, s19, s13, $0xb8;
	[tilespmem:$0x7F80] =	vst v63  }
0x2e: {  	_ =	swait.ge [sflag:s16], $0x800  }
0x2f: {  	[sflag:s16] =	ssyncset.done $0x0  }
0x30: {  	[sflag:s16] =	ssyncadd.s32 $0xFFFFF800  }
0x31: {  	_ =	swait.ge [sflag:s16], $0x800  }
0x32: {  	[sflag:s16] =	ssyncset.done $0x0  }
0x33: {  	[sflag:s16] =	ssyncadd.s32 $0xFFFFF800  }
0x34: {  	_ =	swait.ge [sflag:s16], $0x800  }
0x35: {  	[sflag:s16] =	ssyncset.done $0x0  }
0x36: {  	[sflag:s16] =	ssyncadd.s32 $0xFFFFF800  }
0x37: {  	_ =	swait.ge [sflag:s16], $0x800  }
0x38: {  	s17 =	sadd.s32 $0x1, s17;
	[sflag:s16] =	ssyncset.done $0x0  }
0x39: {  	p0 =	sne.s32 s17, s8;
	[sflag:s16] =	ssyncadd.s32 $0xFFFFF800  }
.Ltmp1:
0x3a: {  	[bflag:$0x0] =	sbarrier.arrive $0xFFFF;
	(pc) =	sbr.rel @p0 .LBB2_1-.Ltmp1, $4  }
0x3b: {  	[hbm:s7], [sflag:s11] =	dma.local [spmem:s12], $0x4F0  }
0x3c: {  	_ =	swait.ge [sflag:s9], $0x4F0  }
0x3d: {  	[sflag:s9] =	ssyncset.done $0x0  }
0x3e: {  	[sflag:s9] =	ssyncadd.s32 $0xFFFFFB10  }
0x3f: {  	_ =	sfence.sel $0x180000  }
0x40: {  	[bflag:$0x0] =	sbarrier.arrive $0xFFFF  }
0x41: {  	p0 =	sne.s32 s0, $0x0;
	_ =	strace $0x90000047  }
0x42: {  	s0 =	sadd.s32 @!p0 $0x100000, s1;
	[bflag:$0x2] =	sbarrier.arrive $0xFFFF  }
0x43: {  	[sflag:s0] =	ssyncadd.tile.s32 @!p0 $0x1;
	_ =	shalt  }
.Lfunc_end2:
_tile_overlayer_lowered:
.L_overlay_start_2:
0x44: {  	(tag) =	ssettag $0x2  }
0x45: {  	s0 =	rddreg [dreg:$0x0];
	s2 =	stileid.u32  }
0x46: {  	s1 =	rddreg [dreg:$0x1];
	p0 =	sne.s32 s2, $0x0  }
0x47: {  	s3 =	rddreg [dreg:$0x2];
	[bflag:$0x3] =	sbarrier.arrive $0xFFFF;
	s2 =	simm.s32 @!p0 $0x1C02  }
0x48: {  	[timem:s3], [sflag:s2] =	dma.local @!p0 [hbm:s0], s1  }
0x49: {  	s0 =	simm.s32 @!p0 $0x2  }
0x4a: {  	_ =	swait.ge @!p0 [sflag:s0], s1  }
0x4b: {  	s1 =	ssub.s32 @!p0 $0x0, s1;
	[sflag:s0] =	ssyncset.done @!p0 $0x0  }
0x4c: {  	[sflag:s0] =	ssyncadd.s32 @!p0 s1  }
0x4d: {  	[bflag:$0x3] =	sbarrier.arrive $0xFFFF  }
0x4e: {  	_ =	shalt  }

</sc_bundles>
